<compile_context>
chip_gen: v7x
topology: tpu7x:2x2x1
jax: 0.10.2.dev20260603
libtpu: 0.0.44.dev20260713+nightly
codegen_flags: <defaults>
</compile_context>

<pallas_src>
import functools

import jax
import jax.numpy as jnp
from jax import lax
from jax.experimental import pallas as pl
from jax.experimental.pallas import tpu as pltpu
from jax.experimental.pallas import tpu_sc as plsc

N = 10000
E = 320000
D = 128
W = 125
NC = 2
NS = 16
NW = NC * NS
N_CHUNKS = E // W
CHUNKS_PER_TILE = N_CHUNKS // NW
ZROWS = 632
ACC_ROWS = NS * ZROWS
OROWS = 624
OROWS_LAST = N - 15 * OROWS
HALF = CHUNKS_PER_TILE // 2


def _sc_gather_scatter_add(x, src2d, dst2d, zeros_init):
    mesh = plsc.VectorSubcoreMesh(core_axis_name="c", subcore_axis_name="s")

    @functools.partial(
        pl.kernel,
        out_type=jax.ShapeDtypeStruct((NC, N, D), jnp.float32),
        mesh=mesh,
        scratch_types=[
            pltpu.VMEM((HALF, W), jnp.int32),
            pltpu.VMEM((HALF, W), jnp.int32),
            pltpu.VMEM((2, W, D), jnp.float32),
            pltpu.VMEM_SHARED((ACC_ROWS, D), jnp.float32),
            pltpu.SemaphoreType.DMA,
            pltpu.SemaphoreType.DMA,
            pltpu.SemaphoreType.DMA,
            pltpu.SemaphoreType.DMA,
        ],
    )
    def k(x_hbm, src_hbm, dst_hbm, z_hbm, out_hbm, src_v, dst_v, rows_v, acc,
          sem0, sem1, sem2, sem3):
        c = lax.axis_index("c")
        s = lax.axis_index("s")
        w = c * NS + s
        lo = w * CHUNKS_PER_TILE

        def stage_and_prime(base, n):
            ia = pltpu.async_copy(src_hbm.at[pl.ds(base, n)], src_v, sem3)
            ib = pltpu.async_copy(dst_hbm.at[pl.ds(base, n)], dst_v, sem3)
            ia.wait()
            ib.wait()
            pltpu.async_copy(x_hbm.at[src_v.at[0]], rows_v.at[0], sem0)
            pltpu.async_copy(x_hbm.at[src_v.at[1]], rows_v.at[1], sem1)

        zcopy = pltpu.async_copy(z_hbm, acc.at[pl.ds(s * ZROWS, ZROWS)], sem2)
        stage_and_prime(lo, HALF)
        zcopy.wait()
        plsc.subcore_barrier()

        def do_chunks(n):
            @pl.loop(0, n, step=2)
            def _(j):
                pltpu.make_async_copy(x_hbm.at[src_v.at[j]], rows_v.at[0],
                                      sem0).wait()
                pltpu.sync_copy(rows_v.at[0], acc.at[dst_v.at[j]], add=True)

                @pl.when(j + 2 < n)
                def _():
                    pltpu.async_copy(x_hbm.at[src_v.at[j + 2]], rows_v.at[0],
                                     sem0)

                pltpu.make_async_copy(x_hbm.at[src_v.at[j + 1]], rows_v.at[1],
                                      sem1).wait()
                pltpu.sync_copy(rows_v.at[1], acc.at[dst_v.at[j + 1]], add=True)

                @pl.when(j + 3 < n)
                def _():
                    pltpu.async_copy(x_hbm.at[src_v.at[j + 3]], rows_v.at[1],
                                     sem1)

        do_chunks(HALF)
        stage_and_prime(lo + HALF, HALF)
        do_chunks(HALF)

        plsc.subcore_barrier()

        ob = s * OROWS

        @pl.when(s < NS - 1)
        def _():
            pltpu.sync_copy(acc.at[pl.ds(ob, OROWS)],
                            out_hbm.at[c].at[pl.ds(ob, OROWS)])

        @pl.when(s == NS - 1)
        def _():
            pltpu.sync_copy(acc.at[pl.ds((NS - 1) * OROWS, OROWS_LAST)],
                            out_hbm.at[c].at[pl.ds((NS - 1) * OROWS, OROWS_LAST)])

    return k(x, src2d, dst2d, zeros_init)


def _combine_partials(partials):
    blk = 2000

    def body(p_ref, o_ref):
        o_ref[...] = p_ref[0] + p_ref[1]

    return pl.pallas_call(
        body,
        out_shape=jax.ShapeDtypeStruct((N, D), jnp.float32),
        grid=(N // blk,),
        in_specs=[pl.BlockSpec((2, blk, D), lambda i: (0, i, 0))],
        out_specs=pl.BlockSpec((blk, D), lambda i: (i, 0)),
    )(partials)


def kernel(x, edge_index):
    src2d = edge_index[0].astype(jnp.int32).reshape(N_CHUNKS, W)
    dst2d = edge_index[1].astype(jnp.int32).reshape(N_CHUNKS, W)
    zeros_init = jnp.zeros((ZROWS, D), jnp.float32)
    partials = _sc_gather_scatter_add(x, src2d, dst2d, zeros_init)
    return _combine_partials(partials)

# --- scband reference (transcript-rebuilt; emitter-appended) ---
"""Pipeline reference for scband-message-passing-34857954574420 (READ-ONLY COPY).

The authoritative reference and input builder live on the scoring server;
editing this copy changes nothing except your own understanding.
"""

import jax, jax.numpy as jnp
import numpy as np

N_NODES = 10000
N_EDGES = 320000
D_FEAT = 128

def setup_inputs(seed: int = 0) -> dict:
    key = jax.random.key(seed)
    k1, k2 = jax.random.split(key)
    x = jax.random.normal(k1, (N_NODES, D_FEAT), dtype=jnp.float32)
    edge_index = jax.random.randint(k2, (2, N_EDGES), 0, N_NODES, dtype=jnp.int64 if jax.config.jax_enable_x64 else jnp.int32)
    return {"x": x, "edge_index": edge_index}

def reference(x, edge_index):
    # MessagePassing base class with aggr='add', flow='source_to_target':
    # message(x_j) = x_j (identity), aggregate = scatter-add onto target nodes.
    # flow source_to_target => j (source) = edge_index[0], i (target) = edge_index[1]
    src_idx = edge_index[0]
    dst_idx = edge_index[1]
    # __lift__: gather source node features per edge
    messages = jnp.take(x, src_idx, axis=0)  # [E, d]
    # aggregate: scatter-add into dim_size = N (size_i inferred from x)
    out = jax.ops.segment_sum(messages, dst_idx, num_segments=x.shape[0])  # [N, d]
    # update: identity
    return out

if __name__ == "__main__":
    import jax
    _d = setup_inputs()
    print(jax.jit(kernel)(*tuple(_d.values())))

</pallas_src>

<mosaic_0001>
#map = affine_map<(d0, d1) -> (0, 0)>
#map1 = affine_map<(d0, d1) -> (0, 0, 0)>
module attributes {stable_mosaic.version = 14 : i64} {
  func.func @k(%arg0: i32, %arg1: i32, %arg2: memref<10000x128xf32, #tpu.memory_space<hbm>>, %arg3: memref<2560x125xi32, #tpu.memory_space<hbm>>, %arg4: memref<2560x125xi32, #tpu.memory_space<hbm>>, %arg5: memref<632x128xf32, #tpu.memory_space<hbm>>, %arg6: memref<2x10000x128xf32, #tpu.memory_space<hbm>>, %arg7: memref<40x125xi32, #tpu.memory_space<vmem>>, %arg8: memref<40x125xi32, #tpu.memory_space<vmem>>, %arg9: memref<2x125x128xf32, #tpu.memory_space<vmem>>, %arg10: memref<10112x128xf32, #tpu.memory_space<vmem_shared>>, %arg11: memref<!tpu.dma_semaphore, #tpu.memory_space<semaphore_mem>>, %arg12: memref<!tpu.dma_semaphore, #tpu.memory_space<semaphore_mem>>, %arg13: memref<!tpu.dma_semaphore, #tpu.memory_space<semaphore_mem>>, %arg14: memref<!tpu.dma_semaphore, #tpu.memory_space<semaphore_mem>>) attributes {dimension_semantics = [#tpu.dimension_semantics<core_parallel>, #tpu.dimension_semantics<subcore_parallel>], iteration_bounds = array<i64: 2, 16>, scalar_prefetch = 0 : i64, scratch_operands = 8 : i64, tpu.core_type = #tpu.core_type<sc_vector_subcore>, window_params = [{transform_indices = #map}, {transform_indices = #map}, {transform_indices = #map}, {transform_indices = #map}, {transform_indices = #map1}]} {
    %mul3A = arith.constant 16 : i32
    %mul3A_0 = arith.muli %arg0, %mul3A : i32
    %add3A = arith.addi %mul3A_0, %arg1 : i32
    %mul3A_1 = arith.constant 80 : i32
    %mul3A_2 = arith.muli %add3A, %mul3A_1 : i32
    %mul3A_3 = arith.constant 632 : i32
    %mul3A_4 = arith.muli %arg1, %mul3A_3 : i32
    %dma_start3A = arith.constant 0 : i32
    %dma_start3A_5 = tpu.memref_slice %arg10[%mul3A_4, %dma_start3A] : memref<10112x128xf32, #tpu.memory_space<vmem_shared>> -> memref<632x128xf32, #tpu.memory_space<vmem_shared>>
    tpu.enqueue_dma source(%arg5 : memref<632x128xf32, #tpu.memory_space<hbm>>) target(%dma_start3A_5 : memref<632x128xf32, #tpu.memory_space<vmem_shared>>) target_semaphore(%arg13 : memref<!tpu.dma_semaphore, #tpu.memory_space<semaphore_mem>>)
    %dma_start3A_6 = arith.constant 0 : i32
    %dma_start3A_7 = tpu.memref_slice %arg3[%mul3A_2, %dma_start3A_6] : memref<2560x125xi32, #tpu.memory_space<hbm>> -> memref<40x125xi32, #tpu.memory_space<hbm>>
    %dma_start3A_8 = arith.constant 0 : i32
    %dma_start3A_9 = tpu.memref_slice %arg3[%mul3A_2, %dma_start3A_8] : memref<2560x125xi32, #tpu.memory_space<hbm>> -> memref<40x125xi32, #tpu.memory_space<hbm>>
    tpu.enqueue_dma source(%dma_start3A_9 : memref<40x125xi32, #tpu.memory_space<hbm>>) target(%arg7 : memref<40x125xi32, #tpu.memory_space<vmem>>) target_semaphore(%arg14 : memref<!tpu.dma_semaphore, #tpu.memory_space<semaphore_mem>>)
    %dma_start3A_10 = arith.constant 0 : i32
    %dma_start3A_11 = tpu.memref_slice %arg4[%mul3A_2, %dma_start3A_10] : memref<2560x125xi32, #tpu.memory_space<hbm>> -> memref<40x125xi32, #tpu.memory_space<hbm>>
    %dma_start3A_12 = arith.constant 0 : i32
    %dma_start3A_13 = tpu.memref_slice %arg4[%mul3A_2, %dma_start3A_12] : memref<2560x125xi32, #tpu.memory_space<hbm>> -> memref<40x125xi32, #tpu.memory_space<hbm>>
    tpu.enqueue_dma source(%dma_start3A_13 : memref<40x125xi32, #tpu.memory_space<hbm>>) target(%arg8 : memref<40x125xi32, #tpu.memory_space<vmem>>) target_semaphore(%arg14 : memref<!tpu.dma_semaphore, #tpu.memory_space<semaphore_mem>>)
    %dma_wait3A = arith.constant 0 : i32
    %dma_wait3A_14 = tpu.memref_slice %arg3[%mul3A_2, %dma_wait3A] : memref<2560x125xi32, #tpu.memory_space<hbm>> -> memref<40x125xi32, #tpu.memory_space<hbm>>
    %dma_wait3A_15 = arith.constant 0 : i32
    %dma_wait3A_16 = tpu.memref_slice %arg3[%mul3A_2, %dma_wait3A_15] : memref<2560x125xi32, #tpu.memory_space<hbm>> -> memref<40x125xi32, #tpu.memory_space<hbm>>
    tpu.wait_dma2 semaphore(%arg14 : memref<!tpu.dma_semaphore, #tpu.memory_space<semaphore_mem>>) src(%dma_wait3A_16 : memref<40x125xi32, #tpu.memory_space<hbm>>) dst(%arg7 : memref<40x125xi32, #tpu.memory_space<vmem>>)
    %dma_wait3A_17 = arith.constant 0 : i32
    %dma_wait3A_18 = tpu.memref_slice %arg4[%mul3A_2, %dma_wait3A_17] : memref<2560x125xi32, #tpu.memory_space<hbm>> -> memref<40x125xi32, #tpu.memory_space<hbm>>
    %dma_wait3A_19 = arith.constant 0 : i32
    %dma_wait3A_20 = tpu.memref_slice %arg4[%mul3A_2, %dma_wait3A_19] : memref<2560x125xi32, #tpu.memory_space<hbm>> -> memref<40x125xi32, #tpu.memory_space<hbm>>
    tpu.wait_dma2 semaphore(%arg14 : memref<!tpu.dma_semaphore, #tpu.memory_space<semaphore_mem>>) src(%dma_wait3A_20 : memref<40x125xi32, #tpu.memory_space<hbm>>) dst(%arg8 : memref<40x125xi32, #tpu.memory_space<vmem>>)
    %dma_start3A_21 = arith.constant 0 : i32
    %dma_start3A_22 = arith.constant 0 : i32
    %dma_start3A_23 = arith.constant 0 : i32
    %dma_start3A_24 = arith.constant 0 : i32
    %dma_start3A_25 = tpu.memref_slice %arg9[%dma_start3A_22, %dma_start3A_23, %dma_start3A_24] : memref<2x125x128xf32, #tpu.memory_space<vmem>> -> memref<1x125x128xf32, #tpu.memory_space<vmem>>
    %dma_start3A_26 = tpu.memref_squeeze %dma_start3A_25 : memref<1x125x128xf32, #tpu.memory_space<vmem>> -> memref<125x128xf32, #tpu.memory_space<vmem>>
    %dma_start3A_27 = arith.constant 0 : i32
    %dma_start3A_28 = tpu.memref_slice %arg7[%dma_start3A_21, %dma_start3A_27] : memref<40x125xi32, #tpu.memory_space<vmem>> -> memref<1x125xi32, #tpu.memory_space<vmem>>
    %dma_start3A_29 = tpu.memref_squeeze %dma_start3A_28 : memref<1x125xi32, #tpu.memory_space<vmem>> -> memref<125xi32, #tpu.memory_space<vmem>>
    %dma_start3A_30 = arith.constant 0 : i32
    %dma_start3A_31 = arith.constant 0 : i32
    %dma_start3A_32 = tpu.memref_slice %arg2[%dma_start3A_30, %dma_start3A_31] : memref<10000x128xf32, #tpu.memory_space<hbm>> -> memref<10000x128xf32, #tpu.memory_space<hbm>>
    tpu.enqueue_indirect_dma source(%dma_start3A_32 : memref<10000x128xf32, #tpu.memory_space<hbm>>) target(%dma_start3A_26 : memref<125x128xf32, #tpu.memory_space<vmem>>) offsets(%dma_start3A_29 : memref<125xi32, #tpu.memory_space<vmem>>) semaphore(%arg11 : memref<!tpu.dma_semaphore, #tpu.memory_space<semaphore_mem>>)
    %dma_start3A_33 = arith.constant 1 : i32
    %dma_start3A_34 = arith.constant 1 : i32
    %dma_start3A_35 = arith.constant 0 : i32
    %dma_start3A_36 = arith.constant 0 : i32
    %dma_start3A_37 = tpu.memref_slice %arg9[%dma_start3A_34, %dma_start3A_35, %dma_start3A_36] : memref<2x125x128xf32, #tpu.memory_space<vmem>> -> memref<1x125x128xf32, #tpu.memory_space<vmem>>
    %dma_start3A_38 = tpu.memref_squeeze %dma_start3A_37 : memref<1x125x128xf32, #tpu.memory_space<vmem>> -> memref<125x128xf32, #tpu.memory_space<vmem>>
    %dma_start3A_39 = arith.constant 0 : i32
    %dma_start3A_40 = tpu.memref_slice %arg7[%dma_start3A_33, %dma_start3A_39] : memref<40x125xi32, #tpu.memory_space<vmem>> -> memref<1x125xi32, #tpu.memory_space<vmem>>
    %dma_start3A_41 = tpu.memref_squeeze %dma_start3A_40 : memref<1x125xi32, #tpu.memory_space<vmem>> -> memref<125xi32, #tpu.memory_space<vmem>>
    %dma_start3A_42 = arith.constant 0 : i32
    %dma_start3A_43 = arith.constant 0 : i32
    %dma_start3A_44 = tpu.memref_slice %arg2[%dma_start3A_42, %dma_start3A_43] : memref<10000x128xf32, #tpu.memory_space<hbm>> -> memref<10000x128xf32, #tpu.memory_space<hbm>>
    tpu.enqueue_indirect_dma source(%dma_start3A_44 : memref<10000x128xf32, #tpu.memory_space<hbm>>) target(%dma_start3A_38 : memref<125x128xf32, #tpu.memory_space<vmem>>) offsets(%dma_start3A_41 : memref<125xi32, #tpu.memory_space<vmem>>) semaphore(%arg12 : memref<!tpu.dma_semaphore, #tpu.memory_space<semaphore_mem>>)
    %dma_wait3A_45 = arith.constant 0 : i32
    %dma_wait3A_46 = tpu.memref_slice %arg10[%mul3A_4, %dma_wait3A_45] : memref<10112x128xf32, #tpu.memory_space<vmem_shared>> -> memref<632x128xf32, #tpu.memory_space<vmem_shared>>
    tpu.wait_dma2 semaphore(%arg13 : memref<!tpu.dma_semaphore, #tpu.memory_space<semaphore_mem>>) src(%arg5 : memref<632x128xf32, #tpu.memory_space<hbm>>) dst(%dma_wait3A_46 : memref<632x128xf32, #tpu.memory_space<vmem_shared>>)
    %barrier3A = arith.constant 0 : index
    tpu.barrier barrier_id(%barrier3A)
    %scan3A = arith.constant 0 : i32
    %scan3A_47 = arith.constant 20 : i32
    %scan3A_48 = arith.addi %scan3A, %scan3A_47 : i32
    %scan3A_49 = arith.constant 1 : i32
    scf.for %scan3A_107 = %scan3A to %scan3A_48 step %scan3A_49  : i32 {
      %mul3A_108 = arith.constant 2 : i32
      %mul3A_109 = arith.muli %scan3A_107, %mul3A_108 : i32
      %add3A_110 = arith.constant 0 : i32
      %add3A_111 = arith.addi %add3A_110, %mul3A_109 : i32
      %dma_wait3A_112 = arith.constant 0 : i32
      %dma_wait3A_113 = arith.constant 0 : i32
      %dma_wait3A_114 = arith.constant 0 : i32
      %dma_wait3A_115 = tpu.memref_slice %arg9[%dma_wait3A_112, %dma_wait3A_113, %dma_wait3A_114] : memref<2x125x128xf32, #tpu.memory_space<vmem>> -> memref<1x125x128xf32, #tpu.memory_space<vmem>>
      %dma_wait3A_116 = tpu.memref_squeeze %dma_wait3A_115 : memref<1x125x128xf32, #tpu.memory_space<vmem>> -> memref<125x128xf32, #tpu.memory_space<vmem>>
      %dma_wait3A_117 = arith.constant 0 : i32
      %dma_wait3A_118 = tpu.memref_slice %arg7[%add3A_111, %dma_wait3A_117] : memref<40x125xi32, #tpu.memory_space<vmem>> -> memref<1x125xi32, #tpu.memory_space<vmem>>
      %dma_wait3A_119 = tpu.memref_squeeze %dma_wait3A_118 : memref<1x125xi32, #tpu.memory_space<vmem>> -> memref<125xi32, #tpu.memory_space<vmem>>
      %dma_wait3A_120 = arith.constant 0 : i32
      %dma_wait3A_121 = arith.constant 0 : i32
      %dma_wait3A_122 = tpu.memref_slice %arg2[%dma_wait3A_120, %dma_wait3A_121] : memref<10000x128xf32, #tpu.memory_space<hbm>> -> memref<10000x128xf32, #tpu.memory_space<hbm>>
      tpu.wait_indirect_dma semaphore(%arg11 : memref<!tpu.dma_semaphore, #tpu.memory_space<semaphore_mem>>) src(%dma_wait3A_122 : memref<10000x128xf32, #tpu.memory_space<hbm>>) dst(%dma_wait3A_116 : memref<125x128xf32, #tpu.memory_space<vmem>>)
      %run_scoped3A = arith.constant 0 : i32
      "tpu.region"() ({
        %run_scoped3A_153 = tpu.sem_alloc : memref<!tpu.dma_semaphore, #tpu.memory_space<semaphore_mem>>
        %dma_start3A_154 = arith.constant 0 : i32
        %dma_start3A_155 = arith.constant 0 : i32
        %dma_start3A_156 = tpu.memref_slice %arg9[%run_scoped3A, %dma_start3A_154, %dma_start3A_155] : memref<2x125x128xf32, #tpu.memory_space<vmem>> -> memref<1x125x128xf32, #tpu.memory_space<vmem>>
        %dma_start3A_157 = tpu.memref_squeeze %dma_start3A_156 : memref<1x125x128xf32, #tpu.memory_space<vmem>> -> memref<125x128xf32, #tpu.memory_space<vmem>>
        %dma_start3A_158 = arith.constant 0 : i32
        %dma_start3A_159 = tpu.memref_slice %arg8[%add3A_111, %dma_start3A_158] : memref<40x125xi32, #tpu.memory_space<vmem>> -> memref<1x125xi32, #tpu.memory_space<vmem>>
        %dma_start3A_160 = tpu.memref_squeeze %dma_start3A_159 : memref<1x125xi32, #tpu.memory_space<vmem>> -> memref<125xi32, #tpu.memory_space<vmem>>
        %dma_start3A_161 = arith.constant 0 : i32
        %dma_start3A_162 = arith.constant 0 : i32
        %dma_start3A_163 = tpu.memref_slice %arg10[%dma_start3A_161, %dma_start3A_162] : memref<10112x128xf32, #tpu.memory_space<vmem_shared>> -> memref<10112x128xf32, #tpu.memory_space<vmem_shared>>
        tpu.enqueue_indirect_dma source(%dma_start3A_157 : memref<125x128xf32, #tpu.memory_space<vmem>>) target(%dma_start3A_163 : memref<10112x128xf32, #tpu.memory_space<vmem_shared>>) offsets(%dma_start3A_160 : memref<125xi32, #tpu.memory_space<vmem>>) semaphore(%run_scoped3A_153 : memref<!tpu.dma_semaphore, #tpu.memory_space<semaphore_mem>>) {add = true}
        %dma_wait3A_164 = arith.constant 0 : i32
        %dma_wait3A_165 = arith.constant 0 : i32
        %dma_wait3A_166 = tpu.memref_slice %arg9[%run_scoped3A, %dma_wait3A_164, %dma_wait3A_165] : memref<2x125x128xf32, #tpu.memory_space<vmem>> -> memref<1x125x128xf32, #tpu.memory_space<vmem>>
        %dma_wait3A_167 = tpu.memref_squeeze %dma_wait3A_166 : memref<1x125x128xf32, #tpu.memory_space<vmem>> -> memref<125x128xf32, #tpu.memory_space<vmem>>
        %dma_wait3A_168 = arith.constant 0 : i32
        %dma_wait3A_169 = tpu.memref_slice %arg8[%add3A_111, %dma_wait3A_168] : memref<40x125xi32, #tpu.memory_space<vmem>> -> memref<1x125xi32, #tpu.memory_space<vmem>>
        %dma_wait3A_170 = tpu.memref_squeeze %dma_wait3A_169 : memref<1x125xi32, #tpu.memory_space<vmem>> -> memref<125xi32, #tpu.memory_space<vmem>>
        %dma_wait3A_171 = arith.constant 0 : i32
        %dma_wait3A_172 = arith.constant 0 : i32
        %dma_wait3A_173 = tpu.memref_slice %arg10[%dma_wait3A_171, %dma_wait3A_172] : memref<10112x128xf32, #tpu.memory_space<vmem_shared>> -> memref<10112x128xf32, #tpu.memory_space<vmem_shared>>
        tpu.wait_indirect_dma semaphore(%run_scoped3A_153 : memref<!tpu.dma_semaphore, #tpu.memory_space<semaphore_mem>>) src(%dma_wait3A_167 : memref<125x128xf32, #tpu.memory_space<vmem>>) dst(%dma_wait3A_173 : memref<10112x128xf32, #tpu.memory_space<vmem_shared>>)
        tpu.yield
      }) : () -> ()
      %add3A_123 = arith.constant 2 : i32
      %add3A_124 = arith.addi %add3A_111, %add3A_123 : i32
      %lt3A_125 = arith.constant 40 : i32
      %lt3A_126 = arith.cmpi slt, %add3A_124, %lt3A_125 : i32
      %convert_element_type3A_127 = arith.extui %lt3A_126 : i1 to i32
      %cond3A_128 = arith.constant 0 : i32
      %cond3A_129 = arith.cmpi ne, %convert_element_type3A_127, %cond3A_128 : i32
      scf.if %cond3A_129 {
        %add3A_153 = arith.constant 2 : i32
        %add3A_154 = arith.addi %add3A_111, %add3A_153 : i32
        %dma_start3A_155 = arith.constant 0 : i32
        %dma_start3A_156 = arith.constant 0 : i32
        %dma_start3A_157 = arith.constant 0 : i32
        %dma_start3A_158 = tpu.memref_slice %arg9[%dma_start3A_155, %dma_start3A_156, %dma_start3A_157] : memref<2x125x128xf32, #tpu.memory_space<vmem>> -> memref<1x125x128xf32, #tpu.memory_space<vmem>>
        %dma_start3A_159 = tpu.memref_squeeze %dma_start3A_158 : memref<1x125x128xf32, #tpu.memory_space<vmem>> -> memref<125x128xf32, #tpu.memory_space<vmem>>
        %dma_start3A_160 = arith.constant 0 : i32
        %dma_start3A_161 = tpu.memref_slice %arg7[%add3A_154, %dma_start3A_160] : memref<40x125xi32, #tpu.memory_space<vmem>> -> memref<1x125xi32, #tpu.memory_space<vmem>>
        %dma_start3A_162 = tpu.memref_squeeze %dma_start3A_161 : memref<1x125xi32, #tpu.memory_space<vmem>> -> memref<125xi32, #tpu.memory_space<vmem>>
        %dma_start3A_163 = arith.constant 0 : i32
        %dma_start3A_164 = arith.constant 0 : i32
        %dma_start3A_165 = tpu.memref_slice %arg2[%dma_start3A_163, %dma_start3A_164] : memref<10000x128xf32, #tpu.memory_space<hbm>> -> memref<10000x128xf32, #tpu.memory_space<hbm>>
        tpu.enqueue_indirect_dma source(%dma_start3A_165 : memref<10000x128xf32, #tpu.memory_space<hbm>>) target(%dma_start3A_159 : memref<125x128xf32, #tpu.memory_space<vmem>>) offsets(%dma_start3A_162 : memref<125xi32, #tpu.memory_space<vmem>>) semaphore(%arg11 : memref<!tpu.dma_semaphore, #tpu.memory_space<semaphore_mem>>)
      } else {
      }
      %add3A_130 = arith.constant 1 : i32
      %add3A_131 = arith.addi %add3A_111, %add3A_130 : i32
      %dma_wait3A_132 = arith.constant 1 : i32
      %dma_wait3A_133 = arith.constant 0 : i32
      %dma_wait3A_134 = arith.constant 0 : i32
      %dma_wait3A_135 = tpu.memref_slice %arg9[%dma_wait3A_132, %dma_wait3A_133, %dma_wait3A_134] : memref<2x125x128xf32, #tpu.memory_space<vmem>> -> memref<1x125x128xf32, #tpu.memory_space<vmem>>
      %dma_wait3A_136 = tpu.memref_squeeze %dma_wait3A_135 : memref<1x125x128xf32, #tpu.memory_space<vmem>> -> memref<125x128xf32, #tpu.memory_space<vmem>>
      %dma_wait3A_137 = arith.constant 0 : i32
      %dma_wait3A_138 = tpu.memref_slice %arg7[%add3A_131, %dma_wait3A_137] : memref<40x125xi32, #tpu.memory_space<vmem>> -> memref<1x125xi32, #tpu.memory_space<vmem>>
      %dma_wait3A_139 = tpu.memref_squeeze %dma_wait3A_138 : memref<1x125xi32, #tpu.memory_space<vmem>> -> memref<125xi32, #tpu.memory_space<vmem>>
      %dma_wait3A_140 = arith.constant 0 : i32
      %dma_wait3A_141 = arith.constant 0 : i32
      %dma_wait3A_142 = tpu.memref_slice %arg2[%dma_wait3A_140, %dma_wait3A_141] : memref<10000x128xf32, #tpu.memory_space<hbm>> -> memref<10000x128xf32, #tpu.memory_space<hbm>>
      tpu.wait_indirect_dma semaphore(%arg12 : memref<!tpu.dma_semaphore, #tpu.memory_space<semaphore_mem>>) src(%dma_wait3A_142 : memref<10000x128xf32, #tpu.memory_space<hbm>>) dst(%dma_wait3A_136 : memref<125x128xf32, #tpu.memory_space<vmem>>)
      %add3A_143 = arith.constant 1 : i32
      %add3A_144 = arith.addi %add3A_111, %add3A_143 : i32
      %run_scoped3A_145 = arith.constant 1 : i32
      "tpu.region"() ({
        %run_scoped3A_153 = tpu.sem_alloc : memref<!tpu.dma_semaphore, #tpu.memory_space<semaphore_mem>>
        %dma_start3A_154 = arith.constant 0 : i32
        %dma_start3A_155 = arith.constant 0 : i32
        %dma_start3A_156 = tpu.memref_slice %arg9[%run_scoped3A_145, %dma_start3A_154, %dma_start3A_155] : memref<2x125x128xf32, #tpu.memory_space<vmem>> -> memref<1x125x128xf32, #tpu.memory_space<vmem>>
        %dma_start3A_157 = tpu.memref_squeeze %dma_start3A_156 : memref<1x125x128xf32, #tpu.memory_space<vmem>> -> memref<125x128xf32, #tpu.memory_space<vmem>>
        %dma_start3A_158 = arith.constant 0 : i32
        %dma_start3A_159 = tpu.memref_slice %arg8[%add3A_144, %dma_start3A_158] : memref<40x125xi32, #tpu.memory_space<vmem>> -> memref<1x125xi32, #tpu.memory_space<vmem>>
        %dma_start3A_160 = tpu.memref_squeeze %dma_start3A_159 : memref<1x125xi32, #tpu.memory_space<vmem>> -> memref<125xi32, #tpu.memory_space<vmem>>
        %dma_start3A_161 = arith.constant 0 : i32
        %dma_start3A_162 = arith.constant 0 : i32
        %dma_start3A_163 = tpu.memref_slice %arg10[%dma_start3A_161, %dma_start3A_162] : memref<10112x128xf32, #tpu.memory_space<vmem_shared>> -> memref<10112x128xf32, #tpu.memory_space<vmem_shared>>
        tpu.enqueue_indirect_dma source(%dma_start3A_157 : memref<125x128xf32, #tpu.memory_space<vmem>>) target(%dma_start3A_163 : memref<10112x128xf32, #tpu.memory_space<vmem_shared>>) offsets(%dma_start3A_160 : memref<125xi32, #tpu.memory_space<vmem>>) semaphore(%run_scoped3A_153 : memref<!tpu.dma_semaphore, #tpu.memory_space<semaphore_mem>>) {add = true}
        %dma_wait3A_164 = arith.constant 0 : i32
        %dma_wait3A_165 = arith.constant 0 : i32
        %dma_wait3A_166 = tpu.memref_slice %arg9[%run_scoped3A_145, %dma_wait3A_164, %dma_wait3A_165] : memref<2x125x128xf32, #tpu.memory_space<vmem>> -> memref<1x125x128xf32, #tpu.memory_space<vmem>>
        %dma_wait3A_167 = tpu.memref_squeeze %dma_wait3A_166 : memref<1x125x128xf32, #tpu.memory_space<vmem>> -> memref<125x128xf32, #tpu.memory_space<vmem>>
        %dma_wait3A_168 = arith.constant 0 : i32
        %dma_wait3A_169 = tpu.memref_slice %arg8[%add3A_144, %dma_wait3A_168] : memref<40x125xi32, #tpu.memory_space<vmem>> -> memref<1x125xi32, #tpu.memory_space<vmem>>
        %dma_wait3A_170 = tpu.memref_squeeze %dma_wait3A_169 : memref<1x125xi32, #tpu.memory_space<vmem>> -> memref<125xi32, #tpu.memory_space<vmem>>
        %dma_wait3A_171 = arith.constant 0 : i32
        %dma_wait3A_172 = arith.constant 0 : i32
        %dma_wait3A_173 = tpu.memref_slice %arg10[%dma_wait3A_171, %dma_wait3A_172] : memref<10112x128xf32, #tpu.memory_space<vmem_shared>> -> memref<10112x128xf32, #tpu.memory_space<vmem_shared>>
        tpu.wait_indirect_dma semaphore(%run_scoped3A_153 : memref<!tpu.dma_semaphore, #tpu.memory_space<semaphore_mem>>) src(%dma_wait3A_167 : memref<125x128xf32, #tpu.memory_space<vmem>>) dst(%dma_wait3A_173 : memref<10112x128xf32, #tpu.memory_space<vmem_shared>>)
        tpu.yield
      }) : () -> ()
      %add3A_146 = arith.constant 3 : i32
      %add3A_147 = arith.addi %add3A_111, %add3A_146 : i32
      %lt3A_148 = arith.constant 40 : i32
      %lt3A_149 = arith.cmpi slt, %add3A_147, %lt3A_148 : i32
      %convert_element_type3A_150 = arith.extui %lt3A_149 : i1 to i32
      %cond3A_151 = arith.constant 0 : i32
      %cond3A_152 = arith.cmpi ne, %convert_element_type3A_150, %cond3A_151 : i32
      scf.if %cond3A_152 {
        %add3A_153 = arith.constant 3 : i32
        %add3A_154 = arith.addi %add3A_111, %add3A_153 : i32
        %dma_start3A_155 = arith.constant 1 : i32
        %dma_start3A_156 = arith.constant 0 : i32
        %dma_start3A_157 = arith.constant 0 : i32
        %dma_start3A_158 = tpu.memref_slice %arg9[%dma_start3A_155, %dma_start3A_156, %dma_start3A_157] : memref<2x125x128xf32, #tpu.memory_space<vmem>> -> memref<1x125x128xf32, #tpu.memory_space<vmem>>
        %dma_start3A_159 = tpu.memref_squeeze %dma_start3A_158 : memref<1x125x128xf32, #tpu.memory_space<vmem>> -> memref<125x128xf32, #tpu.memory_space<vmem>>
        %dma_start3A_160 = arith.constant 0 : i32
        %dma_start3A_161 = tpu.memref_slice %arg7[%add3A_154, %dma_start3A_160] : memref<40x125xi32, #tpu.memory_space<vmem>> -> memref<1x125xi32, #tpu.memory_space<vmem>>
        %dma_start3A_162 = tpu.memref_squeeze %dma_start3A_161 : memref<1x125xi32, #tpu.memory_space<vmem>> -> memref<125xi32, #tpu.memory_space<vmem>>
        %dma_start3A_163 = arith.constant 0 : i32
        %dma_start3A_164 = arith.constant 0 : i32
        %dma_start3A_165 = tpu.memref_slice %arg2[%dma_start3A_163, %dma_start3A_164] : memref<10000x128xf32, #tpu.memory_space<hbm>> -> memref<10000x128xf32, #tpu.memory_space<hbm>>
        tpu.enqueue_indirect_dma source(%dma_start3A_165 : memref<10000x128xf32, #tpu.memory_space<hbm>>) target(%dma_start3A_159 : memref<125x128xf32, #tpu.memory_space<vmem>>) offsets(%dma_start3A_162 : memref<125xi32, #tpu.memory_space<vmem>>) semaphore(%arg12 : memref<!tpu.dma_semaphore, #tpu.memory_space<semaphore_mem>>)
      } else {
      }
    }
    %scan3A_50 = arith.constant 20 : i32
    %add3A_51 = arith.constant 40 : i32
    %add3A_52 = arith.addi %mul3A_2, %add3A_51 : i32
    %dma_start3A_53 = arith.constant 0 : i32
    %dma_start3A_54 = tpu.memref_slice %arg3[%add3A_52, %dma_start3A_53] : memref<2560x125xi32, #tpu.memory_space<hbm>> -> memref<40x125xi32, #tpu.memory_space<hbm>>
    %dma_start3A_55 = arith.constant 0 : i32
    %dma_start3A_56 = tpu.memref_slice %arg3[%add3A_52, %dma_start3A_55] : memref<2560x125xi32, #tpu.memory_space<hbm>> -> memref<40x125xi32, #tpu.memory_space<hbm>>
    tpu.enqueue_dma source(%dma_start3A_56 : memref<40x125xi32, #tpu.memory_space<hbm>>) target(%arg7 : memref<40x125xi32, #tpu.memory_space<vmem>>) target_semaphore(%arg14 : memref<!tpu.dma_semaphore, #tpu.memory_space<semaphore_mem>>)
    %dma_start3A_57 = arith.constant 0 : i32
    %dma_start3A_58 = tpu.memref_slice %arg4[%add3A_52, %dma_start3A_57] : memref<2560x125xi32, #tpu.memory_space<hbm>> -> memref<40x125xi32, #tpu.memory_space<hbm>>
    %dma_start3A_59 = arith.constant 0 : i32
    %dma_start3A_60 = tpu.memref_slice %arg4[%add3A_52, %dma_start3A_59] : memref<2560x125xi32, #tpu.memory_space<hbm>> -> memref<40x125xi32, #tpu.memory_space<hbm>>
    tpu.enqueue_dma source(%dma_start3A_60 : memref<40x125xi32, #tpu.memory_space<hbm>>) target(%arg8 : memref<40x125xi32, #tpu.memory_space<vmem>>) target_semaphore(%arg14 : memref<!tpu.dma_semaphore, #tpu.memory_space<semaphore_mem>>)
    %dma_wait3A_61 = arith.constant 0 : i32
    %dma_wait3A_62 = tpu.memref_slice %arg3[%add3A_52, %dma_wait3A_61] : memref<2560x125xi32, #tpu.memory_space<hbm>> -> memref<40x125xi32, #tpu.memory_space<hbm>>
    %dma_wait3A_63 = arith.constant 0 : i32
    %dma_wait3A_64 = tpu.memref_slice %arg3[%add3A_52, %dma_wait3A_63] : memref<2560x125xi32, #tpu.memory_space<hbm>> -> memref<40x125xi32, #tpu.memory_space<hbm>>
    tpu.wait_dma2 semaphore(%arg14 : memref<!tpu.dma_semaphore, #tpu.memory_space<semaphore_mem>>) src(%dma_wait3A_64 : memref<40x125xi32, #tpu.memory_space<hbm>>) dst(%arg7 : memref<40x125xi32, #tpu.memory_space<vmem>>)
    %dma_wait3A_65 = arith.constant 0 : i32
    %dma_wait3A_66 = tpu.memref_slice %arg4[%add3A_52, %dma_wait3A_65] : memref<2560x125xi32, #tpu.memory_space<hbm>> -> memref<40x125xi32, #tpu.memory_space<hbm>>
    %dma_wait3A_67 = arith.constant 0 : i32
    %dma_wait3A_68 = tpu.memref_slice %arg4[%add3A_52, %dma_wait3A_67] : memref<2560x125xi32, #tpu.memory_space<hbm>> -> memref<40x125xi32, #tpu.memory_space<hbm>>
    tpu.wait_dma2 semaphore(%arg14 : memref<!tpu.dma_semaphore, #tpu.memory_space<semaphore_mem>>) src(%dma_wait3A_68 : memref<40x125xi32, #tpu.memory_space<hbm>>) dst(%arg8 : memref<40x125xi32, #tpu.memory_space<vmem>>)
    %dma_start3A_69 = arith.constant 0 : i32
    %dma_start3A_70 = arith.constant 0 : i32
    %dma_start3A_71 = arith.constant 0 : i32
    %dma_start3A_72 = arith.constant 0 : i32
    %dma_start3A_73 = tpu.memref_slice %arg9[%dma_start3A_70, %dma_start3A_71, %dma_start3A_72] : memref<2x125x128xf32, #tpu.memory_space<vmem>> -> memref<1x125x128xf32, #tpu.memory_space<vmem>>
    %dma_start3A_74 = tpu.memref_squeeze %dma_start3A_73 : memref<1x125x128xf32, #tpu.memory_space<vmem>> -> memref<125x128xf32, #tpu.memory_space<vmem>>
    %dma_start3A_75 = arith.constant 0 : i32
    %dma_start3A_76 = tpu.memref_slice %arg7[%dma_start3A_69, %dma_start3A_75] : memref<40x125xi32, #tpu.memory_space<vmem>> -> memref<1x125xi32, #tpu.memory_space<vmem>>
    %dma_start3A_77 = tpu.memref_squeeze %dma_start3A_76 : memref<1x125xi32, #tpu.memory_space<vmem>> -> memref<125xi32, #tpu.memory_space<vmem>>
    %dma_start3A_78 = arith.constant 0 : i32
    %dma_start3A_79 = arith.constant 0 : i32
    %dma_start3A_80 = tpu.memref_slice %arg2[%dma_start3A_78, %dma_start3A_79] : memref<10000x128xf32, #tpu.memory_space<hbm>> -> memref<10000x128xf32, #tpu.memory_space<hbm>>
    tpu.enqueue_indirect_dma source(%dma_start3A_80 : memref<10000x128xf32, #tpu.memory_space<hbm>>) target(%dma_start3A_74 : memref<125x128xf32, #tpu.memory_space<vmem>>) offsets(%dma_start3A_77 : memref<125xi32, #tpu.memory_space<vmem>>) semaphore(%arg11 : memref<!tpu.dma_semaphore, #tpu.memory_space<semaphore_mem>>)
    %dma_start3A_81 = arith.constant 1 : i32
    %dma_start3A_82 = arith.constant 1 : i32
    %dma_start3A_83 = arith.constant 0 : i32
    %dma_start3A_84 = arith.constant 0 : i32
    %dma_start3A_85 = tpu.memref_slice %arg9[%dma_start3A_82, %dma_start3A_83, %dma_start3A_84] : memref<2x125x128xf32, #tpu.memory_space<vmem>> -> memref<1x125x128xf32, #tpu.memory_space<vmem>>
    %dma_start3A_86 = tpu.memref_squeeze %dma_start3A_85 : memref<1x125x128xf32, #tpu.memory_space<vmem>> -> memref<125x128xf32, #tpu.memory_space<vmem>>
    %dma_start3A_87 = arith.constant 0 : i32
    %dma_start3A_88 = tpu.memref_slice %arg7[%dma_start3A_81, %dma_start3A_87] : memref<40x125xi32, #tpu.memory_space<vmem>> -> memref<1x125xi32, #tpu.memory_space<vmem>>
    %dma_start3A_89 = tpu.memref_squeeze %dma_start3A_88 : memref<1x125xi32, #tpu.memory_space<vmem>> -> memref<125xi32, #tpu.memory_space<vmem>>
    %dma_start3A_90 = arith.constant 0 : i32
    %dma_start3A_91 = arith.constant 0 : i32
    %dma_start3A_92 = tpu.memref_slice %arg2[%dma_start3A_90, %dma_start3A_91] : memref<10000x128xf32, #tpu.memory_space<hbm>> -> memref<10000x128xf32, #tpu.memory_space<hbm>>
    tpu.enqueue_indirect_dma source(%dma_start3A_92 : memref<10000x128xf32, #tpu.memory_space<hbm>>) target(%dma_start3A_86 : memref<125x128xf32, #tpu.memory_space<vmem>>) offsets(%dma_start3A_89 : memref<125xi32, #tpu.memory_space<vmem>>) semaphore(%arg12 : memref<!tpu.dma_semaphore, #tpu.memory_space<semaphore_mem>>)
    %scan3A_93 = arith.constant 0 : i32
    %scan3A_94 = arith.constant 20 : i32
    %scan3A_95 = arith.addi %scan3A_93, %scan3A_94 : i32
    %scan3A_96 = arith.constant 1 : i32
    scf.for %scan3A_107 = %scan3A_93 to %scan3A_95 step %scan3A_96  : i32 {
      %mul3A_108 = arith.constant 2 : i32
      %mul3A_109 = arith.muli %scan3A_107, %mul3A_108 : i32
      %add3A_110 = arith.constant 0 : i32
      %add3A_111 = arith.addi %add3A_110, %mul3A_109 : i32
      %dma_wait3A_112 = arith.constant 0 : i32
      %dma_wait3A_113 = arith.constant 0 : i32
      %dma_wait3A_114 = arith.constant 0 : i32
      %dma_wait3A_115 = tpu.memref_slice %arg9[%dma_wait3A_112, %dma_wait3A_113, %dma_wait3A_114] : memref<2x125x128xf32, #tpu.memory_space<vmem>> -> memref<1x125x128xf32, #tpu.memory_space<vmem>>
      %dma_wait3A_116 = tpu.memref_squeeze %dma_wait3A_115 : memref<1x125x128xf32, #tpu.memory_space<vmem>> -> memref<125x128xf32, #tpu.memory_space<vmem>>
      %dma_wait3A_117 = arith.constant 0 : i32
      %dma_wait3A_118 = tpu.memref_slice %arg7[%add3A_111, %dma_wait3A_117] : memref<40x125xi32, #tpu.memory_space<vmem>> -> memref<1x125xi32, #tpu.memory_space<vmem>>
      %dma_wait3A_119 = tpu.memref_squeeze %dma_wait3A_118 : memref<1x125xi32, #tpu.memory_space<vmem>> -> memref<125xi32, #tpu.memory_space<vmem>>
      %dma_wait3A_120 = arith.constant 0 : i32
      %dma_wait3A_121 = arith.constant 0 : i32
      %dma_wait3A_122 = tpu.memref_slice %arg2[%dma_wait3A_120, %dma_wait3A_121] : memref<10000x128xf32, #tpu.memory_space<hbm>> -> memref<10000x128xf32, #tpu.memory_space<hbm>>
      tpu.wait_indirect_dma semaphore(%arg11 : memref<!tpu.dma_semaphore, #tpu.memory_space<semaphore_mem>>) src(%dma_wait3A_122 : memref<10000x128xf32, #tpu.memory_space<hbm>>) dst(%dma_wait3A_116 : memref<125x128xf32, #tpu.memory_space<vmem>>)
      %run_scoped3A = arith.constant 0 : i32
      "tpu.region"() ({
        %run_scoped3A_153 = tpu.sem_alloc : memref<!tpu.dma_semaphore, #tpu.memory_space<semaphore_mem>>
        %dma_start3A_154 = arith.constant 0 : i32
        %dma_start3A_155 = arith.constant 0 : i32
        %dma_start3A_156 = tpu.memref_slice %arg9[%run_scoped3A, %dma_start3A_154, %dma_start3A_155] : memref<2x125x128xf32, #tpu.memory_space<vmem>> -> memref<1x125x128xf32, #tpu.memory_space<vmem>>
        %dma_start3A_157 = tpu.memref_squeeze %dma_start3A_156 : memref<1x125x128xf32, #tpu.memory_space<vmem>> -> memref<125x128xf32, #tpu.memory_space<vmem>>
        %dma_start3A_158 = arith.constant 0 : i32
        %dma_start3A_159 = tpu.memref_slice %arg8[%add3A_111, %dma_start3A_158] : memref<40x125xi32, #tpu.memory_space<vmem>> -> memref<1x125xi32, #tpu.memory_space<vmem>>
        %dma_start3A_160 = tpu.memref_squeeze %dma_start3A_159 : memref<1x125xi32, #tpu.memory_space<vmem>> -> memref<125xi32, #tpu.memory_space<vmem>>
        %dma_start3A_161 = arith.constant 0 : i32
        %dma_start3A_162 = arith.constant 0 : i32
        %dma_start3A_163 = tpu.memref_slice %arg10[%dma_start3A_161, %dma_start3A_162] : memref<10112x128xf32, #tpu.memory_space<vmem_shared>> -> memref<10112x128xf32, #tpu.memory_space<vmem_shared>>
        tpu.enqueue_indirect_dma source(%dma_start3A_157 : memref<125x128xf32, #tpu.memory_space<vmem>>) target(%dma_start3A_163 : memref<10112x128xf32, #tpu.memory_space<vmem_shared>>) offsets(%dma_start3A_160 : memref<125xi32, #tpu.memory_space<vmem>>) semaphore(%run_scoped3A_153 : memref<!tpu.dma_semaphore, #tpu.memory_space<semaphore_mem>>) {add = true}
        %dma_wait3A_164 = arith.constant 0 : i32
        %dma_wait3A_165 = arith.constant 0 : i32
        %dma_wait3A_166 = tpu.memref_slice %arg9[%run_scoped3A, %dma_wait3A_164, %dma_wait3A_165] : memref<2x125x128xf32, #tpu.memory_space<vmem>> -> memref<1x125x128xf32, #tpu.memory_space<vmem>>
        %dma_wait3A_167 = tpu.memref_squeeze %dma_wait3A_166 : memref<1x125x128xf32, #tpu.memory_space<vmem>> -> memref<125x128xf32, #tpu.memory_space<vmem>>
        %dma_wait3A_168 = arith.constant 0 : i32
        %dma_wait3A_169 = tpu.memref_slice %arg8[%add3A_111, %dma_wait3A_168] : memref<40x125xi32, #tpu.memory_space<vmem>> -> memref<1x125xi32, #tpu.memory_space<vmem>>
        %dma_wait3A_170 = tpu.memref_squeeze %dma_wait3A_169 : memref<1x125xi32, #tpu.memory_space<vmem>> -> memref<125xi32, #tpu.memory_space<vmem>>
        %dma_wait3A_171 = arith.constant 0 : i32
        %dma_wait3A_172 = arith.constant 0 : i32
        %dma_wait3A_173 = tpu.memref_slice %arg10[%dma_wait3A_171, %dma_wait3A_172] : memref<10112x128xf32, #tpu.memory_space<vmem_shared>> -> memref<10112x128xf32, #tpu.memory_space<vmem_shared>>
        tpu.wait_indirect_dma semaphore(%run_scoped3A_153 : memref<!tpu.dma_semaphore, #tpu.memory_space<semaphore_mem>>) src(%dma_wait3A_167 : memref<125x128xf32, #tpu.memory_space<vmem>>) dst(%dma_wait3A_173 : memref<10112x128xf32, #tpu.memory_space<vmem_shared>>)
        tpu.yield
      }) : () -> ()
      %add3A_123 = arith.constant 2 : i32
      %add3A_124 = arith.addi %add3A_111, %add3A_123 : i32
      %lt3A_125 = arith.constant 40 : i32
      %lt3A_126 = arith.cmpi slt, %add3A_124, %lt3A_125 : i32
      %convert_element_type3A_127 = arith.extui %lt3A_126 : i1 to i32
      %cond3A_128 = arith.constant 0 : i32
      %cond3A_129 = arith.cmpi ne, %convert_element_type3A_127, %cond3A_128 : i32
      scf.if %cond3A_129 {
        %add3A_153 = arith.constant 2 : i32
        %add3A_154 = arith.addi %add3A_111, %add3A_153 : i32
        %dma_start3A_155 = arith.constant 0 : i32
        %dma_start3A_156 = arith.constant 0 : i32
        %dma_start3A_157 = arith.constant 0 : i32
        %dma_start3A_158 = tpu.memref_slice %arg9[%dma_start3A_155, %dma_start3A_156, %dma_start3A_157] : memref<2x125x128xf32, #tpu.memory_space<vmem>> -> memref<1x125x128xf32, #tpu.memory_space<vmem>>
        %dma_start3A_159 = tpu.memref_squeeze %dma_start3A_158 : memref<1x125x128xf32, #tpu.memory_space<vmem>> -> memref<125x128xf32, #tpu.memory_space<vmem>>
        %dma_start3A_160 = arith.constant 0 : i32
        %dma_start3A_161 = tpu.memref_slice %arg7[%add3A_154, %dma_start3A_160] : memref<40x125xi32, #tpu.memory_space<vmem>> -> memref<1x125xi32, #tpu.memory_space<vmem>>
        %dma_start3A_162 = tpu.memref_squeeze %dma_start3A_161 : memref<1x125xi32, #tpu.memory_space<vmem>> -> memref<125xi32, #tpu.memory_space<vmem>>
        %dma_start3A_163 = arith.constant 0 : i32
        %dma_start3A_164 = arith.constant 0 : i32
        %dma_start3A_165 = tpu.memref_slice %arg2[%dma_start3A_163, %dma_start3A_164] : memref<10000x128xf32, #tpu.memory_space<hbm>> -> memref<10000x128xf32, #tpu.memory_space<hbm>>
        tpu.enqueue_indirect_dma source(%dma_start3A_165 : memref<10000x128xf32, #tpu.memory_space<hbm>>) target(%dma_start3A_159 : memref<125x128xf32, #tpu.memory_space<vmem>>) offsets(%dma_start3A_162 : memref<125xi32, #tpu.memory_space<vmem>>) semaphore(%arg11 : memref<!tpu.dma_semaphore, #tpu.memory_space<semaphore_mem>>)
      } else {
      }
      %add3A_130 = arith.constant 1 : i32
      %add3A_131 = arith.addi %add3A_111, %add3A_130 : i32
      %dma_wait3A_132 = arith.constant 1 : i32
      %dma_wait3A_133 = arith.constant 0 : i32
      %dma_wait3A_134 = arith.constant 0 : i32
      %dma_wait3A_135 = tpu.memref_slice %arg9[%dma_wait3A_132, %dma_wait3A_133, %dma_wait3A_134] : memref<2x125x128xf32, #tpu.memory_space<vmem>> -> memref<1x125x128xf32, #tpu.memory_space<vmem>>
      %dma_wait3A_136 = tpu.memref_squeeze %dma_wait3A_135 : memref<1x125x128xf32, #tpu.memory_space<vmem>> -> memref<125x128xf32, #tpu.memory_space<vmem>>
      %dma_wait3A_137 = arith.constant 0 : i32
      %dma_wait3A_138 = tpu.memref_slice %arg7[%add3A_131, %dma_wait3A_137] : memref<40x125xi32, #tpu.memory_space<vmem>> -> memref<1x125xi32, #tpu.memory_space<vmem>>
      %dma_wait3A_139 = tpu.memref_squeeze %dma_wait3A_138 : memref<1x125xi32, #tpu.memory_space<vmem>> -> memref<125xi32, #tpu.memory_space<vmem>>
      %dma_wait3A_140 = arith.constant 0 : i32
      %dma_wait3A_141 = arith.constant 0 : i32
      %dma_wait3A_142 = tpu.memref_slice %arg2[%dma_wait3A_140, %dma_wait3A_141] : memref<10000x128xf32, #tpu.memory_space<hbm>> -> memref<10000x128xf32, #tpu.memory_space<hbm>>
      tpu.wait_indirect_dma semaphore(%arg12 : memref<!tpu.dma_semaphore, #tpu.memory_space<semaphore_mem>>) src(%dma_wait3A_142 : memref<10000x128xf32, #tpu.memory_space<hbm>>) dst(%dma_wait3A_136 : memref<125x128xf32, #tpu.memory_space<vmem>>)
      %add3A_143 = arith.constant 1 : i32
      %add3A_144 = arith.addi %add3A_111, %add3A_143 : i32
      %run_scoped3A_145 = arith.constant 1 : i32
      "tpu.region"() ({
        %run_scoped3A_153 = tpu.sem_alloc : memref<!tpu.dma_semaphore, #tpu.memory_space<semaphore_mem>>
        %dma_start3A_154 = arith.constant 0 : i32
        %dma_start3A_155 = arith.constant 0 : i32
        %dma_start3A_156 = tpu.memref_slice %arg9[%run_scoped3A_145, %dma_start3A_154, %dma_start3A_155] : memref<2x125x128xf32, #tpu.memory_space<vmem>> -> memref<1x125x128xf32, #tpu.memory_space<vmem>>
        %dma_start3A_157 = tpu.memref_squeeze %dma_start3A_156 : memref<1x125x128xf32, #tpu.memory_space<vmem>> -> memref<125x128xf32, #tpu.memory_space<vmem>>
        %dma_start3A_158 = arith.constant 0 : i32
        %dma_start3A_159 = tpu.memref_slice %arg8[%add3A_144, %dma_start3A_158] : memref<40x125xi32, #tpu.memory_space<vmem>> -> memref<1x125xi32, #tpu.memory_space<vmem>>
        %dma_start3A_160 = tpu.memref_squeeze %dma_start3A_159 : memref<1x125xi32, #tpu.memory_space<vmem>> -> memref<125xi32, #tpu.memory_space<vmem>>
        %dma_start3A_161 = arith.constant 0 : i32
        %dma_start3A_162 = arith.constant 0 : i32
        %dma_start3A_163 = tpu.memref_slice %arg10[%dma_start3A_161, %dma_start3A_162] : memref<10112x128xf32, #tpu.memory_space<vmem_shared>> -> memref<10112x128xf32, #tpu.memory_space<vmem_shared>>
        tpu.enqueue_indirect_dma source(%dma_start3A_157 : memref<125x128xf32, #tpu.memory_space<vmem>>) target(%dma_start3A_163 : memref<10112x128xf32, #tpu.memory_space<vmem_shared>>) offsets(%dma_start3A_160 : memref<125xi32, #tpu.memory_space<vmem>>) semaphore(%run_scoped3A_153 : memref<!tpu.dma_semaphore, #tpu.memory_space<semaphore_mem>>) {add = true}
        %dma_wait3A_164 = arith.constant 0 : i32
        %dma_wait3A_165 = arith.constant 0 : i32
        %dma_wait3A_166 = tpu.memref_slice %arg9[%run_scoped3A_145, %dma_wait3A_164, %dma_wait3A_165] : memref<2x125x128xf32, #tpu.memory_space<vmem>> -> memref<1x125x128xf32, #tpu.memory_space<vmem>>
        %dma_wait3A_167 = tpu.memref_squeeze %dma_wait3A_166 : memref<1x125x128xf32, #tpu.memory_space<vmem>> -> memref<125x128xf32, #tpu.memory_space<vmem>>
        %dma_wait3A_168 = arith.constant 0 : i32
        %dma_wait3A_169 = tpu.memref_slice %arg8[%add3A_144, %dma_wait3A_168] : memref<40x125xi32, #tpu.memory_space<vmem>> -> memref<1x125xi32, #tpu.memory_space<vmem>>
        %dma_wait3A_170 = tpu.memref_squeeze %dma_wait3A_169 : memref<1x125xi32, #tpu.memory_space<vmem>> -> memref<125xi32, #tpu.memory_space<vmem>>
        %dma_wait3A_171 = arith.constant 0 : i32
        %dma_wait3A_172 = arith.constant 0 : i32
        %dma_wait3A_173 = tpu.memref_slice %arg10[%dma_wait3A_171, %dma_wait3A_172] : memref<10112x128xf32, #tpu.memory_space<vmem_shared>> -> memref<10112x128xf32, #tpu.memory_space<vmem_shared>>
        tpu.wait_indirect_dma semaphore(%run_scoped3A_153 : memref<!tpu.dma_semaphore, #tpu.memory_space<semaphore_mem>>) src(%dma_wait3A_167 : memref<125x128xf32, #tpu.memory_space<vmem>>) dst(%dma_wait3A_173 : memref<10112x128xf32, #tpu.memory_space<vmem_shared>>)
        tpu.yield
      }) : () -> ()
      %add3A_146 = arith.constant 3 : i32
      %add3A_147 = arith.addi %add3A_111, %add3A_146 : i32
      %lt3A_148 = arith.constant 40 : i32
      %lt3A_149 = arith.cmpi slt, %add3A_147, %lt3A_148 : i32
      %convert_element_type3A_150 = arith.extui %lt3A_149 : i1 to i32
      %cond3A_151 = arith.constant 0 : i32
      %cond3A_152 = arith.cmpi ne, %convert_element_type3A_150, %cond3A_151 : i32
      scf.if %cond3A_152 {
        %add3A_153 = arith.constant 3 : i32
        %add3A_154 = arith.addi %add3A_111, %add3A_153 : i32
        %dma_start3A_155 = arith.constant 1 : i32
        %dma_start3A_156 = arith.constant 0 : i32
        %dma_start3A_157 = arith.constant 0 : i32
        %dma_start3A_158 = tpu.memref_slice %arg9[%dma_start3A_155, %dma_start3A_156, %dma_start3A_157] : memref<2x125x128xf32, #tpu.memory_space<vmem>> -> memref<1x125x128xf32, #tpu.memory_space<vmem>>
        %dma_start3A_159 = tpu.memref_squeeze %dma_start3A_158 : memref<1x125x128xf32, #tpu.memory_space<vmem>> -> memref<125x128xf32, #tpu.memory_space<vmem>>
        %dma_start3A_160 = arith.constant 0 : i32
        %dma_start3A_161 = tpu.memref_slice %arg7[%add3A_154, %dma_start3A_160] : memref<40x125xi32, #tpu.memory_space<vmem>> -> memref<1x125xi32, #tpu.memory_space<vmem>>
        %dma_start3A_162 = tpu.memref_squeeze %dma_start3A_161 : memref<1x125xi32, #tpu.memory_space<vmem>> -> memref<125xi32, #tpu.memory_space<vmem>>
        %dma_start3A_163 = arith.constant 0 : i32
        %dma_start3A_164 = arith.constant 0 : i32
        %dma_start3A_165 = tpu.memref_slice %arg2[%dma_start3A_163, %dma_start3A_164] : memref<10000x128xf32, #tpu.memory_space<hbm>> -> memref<10000x128xf32, #tpu.memory_space<hbm>>
        tpu.enqueue_indirect_dma source(%dma_start3A_165 : memref<10000x128xf32, #tpu.memory_space<hbm>>) target(%dma_start3A_159 : memref<125x128xf32, #tpu.memory_space<vmem>>) offsets(%dma_start3A_162 : memref<125xi32, #tpu.memory_space<vmem>>) semaphore(%arg12 : memref<!tpu.dma_semaphore, #tpu.memory_space<semaphore_mem>>)
      } else {
      }
    }
    %scan3A_97 = arith.constant 20 : i32
    %barrier3A_98 = arith.constant 0 : index
    tpu.barrier barrier_id(%barrier3A_98)
    %mul3A_99 = arith.constant 624 : i32
    %mul3A_100 = arith.muli %arg1, %mul3A_99 : i32
    %lt3A = arith.constant 15 : i32
    %lt3A_101 = arith.cmpi slt, %arg1, %lt3A : i32
    %convert_element_type3A = arith.extui %lt3A_101 : i1 to i32
    %cond3A = arith.constant 0 : i32
    %cond3A_102 = arith.cmpi ne, %convert_element_type3A, %cond3A : i32
    scf.if %cond3A_102 {
      "tpu.region"() ({
        %run_scoped3A = tpu.sem_alloc : memref<!tpu.dma_semaphore, #tpu.memory_space<semaphore_mem>>
        %dma_start3A_107 = arith.constant 0 : i32
        %dma_start3A_108 = arith.constant 0 : i32
        %dma_start3A_109 = tpu.memref_slice %arg6[%arg0, %dma_start3A_107, %dma_start3A_108] : memref<2x10000x128xf32, #tpu.memory_space<hbm>> -> memref<1x10000x128xf32, #tpu.memory_space<hbm>>
        %dma_start3A_110 = tpu.memref_squeeze %dma_start3A_109 : memref<1x10000x128xf32, #tpu.memory_space<hbm>> -> memref<10000x128xf32, #tpu.memory_space<hbm>>
        %dma_start3A_111 = arith.constant 0 : i32
        %dma_start3A_112 = tpu.memref_slice %dma_start3A_110[%mul3A_100, %dma_start3A_111] : memref<10000x128xf32, #tpu.memory_space<hbm>> -> memref<624x128xf32, #tpu.memory_space<hbm>>
        %dma_start3A_113 = arith.constant 0 : i32
        %dma_start3A_114 = tpu.memref_slice %arg10[%mul3A_100, %dma_start3A_113] : memref<10112x128xf32, #tpu.memory_space<vmem_shared>> -> memref<624x128xf32, #tpu.memory_space<vmem_shared>>
        tpu.enqueue_dma source(%dma_start3A_114 : memref<624x128xf32, #tpu.memory_space<vmem_shared>>) target(%dma_start3A_112 : memref<624x128xf32, #tpu.memory_space<hbm>>) target_semaphore(%run_scoped3A : memref<!tpu.dma_semaphore, #tpu.memory_space<semaphore_mem>>)
        %dma_wait3A_115 = arith.constant 0 : i32
        %dma_wait3A_116 = arith.constant 0 : i32
        %dma_wait3A_117 = tpu.memref_slice %arg6[%arg0, %dma_wait3A_115, %dma_wait3A_116] : memref<2x10000x128xf32, #tpu.memory_space<hbm>> -> memref<1x10000x128xf32, #tpu.memory_space<hbm>>
        %dma_wait3A_118 = tpu.memref_squeeze %dma_wait3A_117 : memref<1x10000x128xf32, #tpu.memory_space<hbm>> -> memref<10000x128xf32, #tpu.memory_space<hbm>>
        %dma_wait3A_119 = arith.constant 0 : i32
        %dma_wait3A_120 = tpu.memref_slice %dma_wait3A_118[%mul3A_100, %dma_wait3A_119] : memref<10000x128xf32, #tpu.memory_space<hbm>> -> memref<624x128xf32, #tpu.memory_space<hbm>>
        %dma_wait3A_121 = arith.constant 0 : i32
        %dma_wait3A_122 = tpu.memref_slice %arg10[%mul3A_100, %dma_wait3A_121] : memref<10112x128xf32, #tpu.memory_space<vmem_shared>> -> memref<624x128xf32, #tpu.memory_space<vmem_shared>>
        tpu.wait_dma2 semaphore(%run_scoped3A : memref<!tpu.dma_semaphore, #tpu.memory_space<semaphore_mem>>) src(%dma_wait3A_122 : memref<624x128xf32, #tpu.memory_space<vmem_shared>>) dst(%dma_wait3A_120 : memref<624x128xf32, #tpu.memory_space<hbm>>)
        tpu.yield
      }) : () -> ()
    } else {
    }
    %eq3A = arith.constant 15 : i32
    %eq3A_103 = arith.cmpi eq, %arg1, %eq3A : i32
    %convert_element_type3A_104 = arith.extui %eq3A_103 : i1 to i32
    %cond3A_105 = arith.constant 0 : i32
    %cond3A_106 = arith.cmpi ne, %convert_element_type3A_104, %cond3A_105 : i32
    scf.if %cond3A_106 {
      "tpu.region"() ({
        %run_scoped3A = tpu.sem_alloc : memref<!tpu.dma_semaphore, #tpu.memory_space<semaphore_mem>>
        %dma_start3A_107 = arith.constant 0 : i32
        %dma_start3A_108 = arith.constant 0 : i32
        %dma_start3A_109 = tpu.memref_slice %arg6[%arg0, %dma_start3A_107, %dma_start3A_108] : memref<2x10000x128xf32, #tpu.memory_space<hbm>> -> memref<1x10000x128xf32, #tpu.memory_space<hbm>>
        %dma_start3A_110 = tpu.memref_squeeze %dma_start3A_109 : memref<1x10000x128xf32, #tpu.memory_space<hbm>> -> memref<10000x128xf32, #tpu.memory_space<hbm>>
        %dma_start3A_111 = arith.constant 9360 : i32
        %dma_start3A_112 = arith.constant 0 : i32
        %dma_start3A_113 = tpu.memref_slice %dma_start3A_110[%dma_start3A_111, %dma_start3A_112] : memref<10000x128xf32, #tpu.memory_space<hbm>> -> memref<640x128xf32, #tpu.memory_space<hbm>>
        %dma_start3A_114 = arith.constant 9360 : i32
        %dma_start3A_115 = arith.constant 0 : i32
        %dma_start3A_116 = tpu.memref_slice %arg10[%dma_start3A_114, %dma_start3A_115] : memref<10112x128xf32, #tpu.memory_space<vmem_shared>> -> memref<640x128xf32, #tpu.memory_space<vmem_shared>>
        tpu.enqueue_dma source(%dma_start3A_116 : memref<640x128xf32, #tpu.memory_space<vmem_shared>>) target(%dma_start3A_113 : memref<640x128xf32, #tpu.memory_space<hbm>>) target_semaphore(%run_scoped3A : memref<!tpu.dma_semaphore, #tpu.memory_space<semaphore_mem>>)
        %dma_wait3A_117 = arith.constant 0 : i32
        %dma_wait3A_118 = arith.constant 0 : i32
        %dma_wait3A_119 = tpu.memref_slice %arg6[%arg0, %dma_wait3A_117, %dma_wait3A_118] : memref<2x10000x128xf32, #tpu.memory_space<hbm>> -> memref<1x10000x128xf32, #tpu.memory_space<hbm>>
        %dma_wait3A_120 = tpu.memref_squeeze %dma_wait3A_119 : memref<1x10000x128xf32, #tpu.memory_space<hbm>> -> memref<10000x128xf32, #tpu.memory_space<hbm>>
        %dma_wait3A_121 = arith.constant 9360 : i32
        %dma_wait3A_122 = arith.constant 0 : i32
        %dma_wait3A_123 = tpu.memref_slice %dma_wait3A_120[%dma_wait3A_121, %dma_wait3A_122] : memref<10000x128xf32, #tpu.memory_space<hbm>> -> memref<640x128xf32, #tpu.memory_space<hbm>>
        %dma_wait3A_124 = arith.constant 9360 : i32
        %dma_wait3A_125 = arith.constant 0 : i32
        %dma_wait3A_126 = tpu.memref_slice %arg10[%dma_wait3A_124, %dma_wait3A_125] : memref<10112x128xf32, #tpu.memory_space<vmem_shared>> -> memref<640x128xf32, #tpu.memory_space<vmem_shared>>
        tpu.wait_dma2 semaphore(%run_scoped3A : memref<!tpu.dma_semaphore, #tpu.memory_space<semaphore_mem>>) src(%dma_wait3A_126 : memref<640x128xf32, #tpu.memory_space<vmem_shared>>) dst(%dma_wait3A_123 : memref<640x128xf32, #tpu.memory_space<hbm>>)
        tpu.yield
      }) : () -> ()
    } else {
    }
    return
  }
}

module attributes {stable_mosaic.version = 14 : i64} {
  func.func @body(%arg0: i32, %arg1: memref<2x2000x128xf32, #tpu.memory_space<vmem>>, %arg2: memref<2000x128xf32, #tpu.memory_space<vmem>>) attributes {dimension_semantics = [#tpu.dimension_semantics<arbitrary>], iteration_bounds = array<i64: 5>, scalar_prefetch = 0 : i64, scratch_operands = 0 : i64, tpu.core_type = #tpu.core_type<tc>, window_params = [{transform_indices = @transform_0, window_bounds = array<i64: 2, 2000, 128>}, {transform_indices = @transform_1, window_bounds = array<i64: 2000, 128>}]} {
    %get3A = arith.constant 0 : index
    %get3A_0 = arith.constant 0 : index
    %get3A_1 = arith.constant 0 : index
    %get3A_2 = vector.load %arg1[%get3A, %get3A_0, %get3A_1] : memref<2x2000x128xf32, #tpu.memory_space<vmem>>, vector<1x2000x128xf32>
    %get3A_3 = vector.shape_cast %get3A_2 : vector<1x2000x128xf32> to vector<2000x128xf32>
    %get3A_4 = arith.constant 1 : index
    %get3A_5 = arith.constant 0 : index
    %get3A_6 = arith.constant 0 : index
    %get3A_7 = vector.load %arg1[%get3A_4, %get3A_5, %get3A_6] : memref<2x2000x128xf32, #tpu.memory_space<vmem>>, vector<1x2000x128xf32>
    %get3A_8 = vector.shape_cast %get3A_7 : vector<1x2000x128xf32> to vector<2000x128xf32>
    %add3A = arith.addf %get3A_3, %get3A_8 : vector<2000x128xf32>
    %swap3A = arith.constant 0 : index
    %swap3A_9 = arith.constant 0 : index
    %swap3A_10 = vector.load %arg2[%swap3A, %swap3A_9] : memref<2000x128xf32, #tpu.memory_space<vmem>>, vector<2000x128xf32>
    tpu.vector_store %arg2[%swap3A, %swap3A_9], %add3A {strides = array<i32>} : memref<2000x128xf32, #tpu.memory_space<vmem>>, vector<2000x128xf32>,
    return
  }
  func.func @transform_0(%arg0: i32) -> (i32, i32, i32) {
    %c0_i32 = arith.constant 0 : i32
    %c0_i32_0 = arith.constant 0 : i32
    %c0_i32_1 = arith.constant 0 : i32
    return %c0_i32, %arg0, %c0_i32_0 : i32, i32, i32
  }
  func.func @transform_1(%arg0: i32) -> (i32, i32) {
    %c0_i32 = arith.constant 0 : i32
    %c0_i32_0 = arith.constant 0 : i32
    return %arg0, %c0_i32 : i32, i32
  }
}

</mosaic_0001>

<sc_bundles>
// kernel: kernel.4.cloned.1.call-start
scs
__scs_entry_jumppad:
0x0: {  	(pc) =	sbr.rel $0x88, $3  }
0x1: {  	(tag) =	ssettag $0x0;
	lr =	simm.s32 $0x1  }
0x2: {  	[smem:$0x3F9F] =	sst lr;
	_ =	strace $0xD0000000  }
0x3: {  	_ = 	snop  }
0x4: {  	_ = 	snop  }
0x5: {  	_ = 	snop  }
0x6: {  	_ = 	snop  }
0x7: {  	_ = 	snop  }
__scs_overlays_trampoline_lowered:
0x8: {  	[smem:$0x3FAE] =	sst s0  }
0x9: {  	[smem:$0x3FAF] =	sst s1  }
0xa: {  	[smem:$0x3FB0] =	sst s2  }
0xb: {  	[smem:$0x3FB1] =	sst s3  }
0xc: {  	[smem:$0x3FB2] =	sst s4  }
0xd: {  	[smem:$0x3FB3] =	sst s5  }
0xe: {  	[smem:$0x3FB4] =	sst s6  }
0xf: {  	[smem:$0x3FB5] =	sst s7  }
0x10: {  	[smem:$0x3FB6] =	sst s8  }
0x11: {  	[smem:$0x3FB7] =	sst s9;
	s0 =	simm.s32 @!p0 $0x0  }
0x12: {  	s1 =	sld [smem:$0x3F9D];
	s0 =	simm.s32 @p0 $0x1  }
0x13: {  	[smem:$0x3FB8] =	sst s0;
	s0 =	simm.s32 @!p1 $0x0  }
0x14: {  	s2 =	sld [smem:$0x3F9C];
	s0 =	simm.s32 @p1 $0x1  }
0x15: {  	[smem:$0x3FB9] =	sst s0;
	s0 =	simm.s32 @!p2 $0x0  }
0x16: {  	s3 =	sld [smem:$0x3FDB];
	s0 =	simm.s32 @p2 $0x1  }
0x17: {  	s4 =	simm.s32 $0x1BF5;
	[smem:$0x3FBB] =	sst s0  }
0x18: {  	s0 =	sld [smem:$0x3F9E];
	_ =	swait.ge [sflag:s4], $0x0  }
0x19: {  	s7 =	sld [smem:$0x3F9F]  }
0x1a: {  	s8 =	sadd.s32 $0xFFFFE003, lr  }
0x1b: {  	s9 =	sadd.s32 $0xFFFFFEF7, lr;
	s5 =	simm.s32 $0xFFFFFFFF;
	p2 =	slt.u32 s8, $0xFFFFF086  }
0x1c: {  	p1 =	slt.u32 s9, $0xF7A;
	s5 =	simm.s32 @!p2 $0x0  }
0x1d: {  	s5 =	simm.s32 @p1 $0x1;
	p0 =	seq.s32 s7, s2  }
0x1e: {  	s7 =	smul.u32 @!p0 $0xF7A, s2;
	p2 =	seq.s32 @!p0 s5, $0x0  }
0x1f: {  	s9 =	smul.u32 $0xF7A, s1;
	s8 =	simm.s32 @!p0 $0x1BF5;
	p2 =	por !p2, p0  }
0x20: {  	[sflag:s8] =	ssyncset.s32 @!p0 $0xFFFFF086;
	s6 =	sadd.s32 @!p0 s3, s7;
	s7 =	simm.s32 @!p0 $0x108  }
0x21: {  	s3 =	sadd.s32 s3, s9;
	s6 =	sadd.s32 @!p0 $0x88, s6;
	s7 =	simm.s32 @p2 $0x1082  }
0x22: {  	[simem:s7], [sflag:s8] =	dma.local @!p0 [hbm:s6], $0xF7A  }
0x23: {  	s9 =	sor.u32 $0xD0000000, s2;
	s6 =	simm.s32 $0x108;
	_ =	swait.ge @!p0 [sflag:s8], $0x0  }
0x24: {  	s3 =	sadd.s32 $0x88, s3;
	s6 =	simm.s32 @!p1 $0x1082;
	[sflag:s4] =	ssyncset.s32 $0xFFFFF086  }
0x25: {  	[simem:s6], [sflag:s4] =	dma.local [hbm:s3], $0xF7A  }
0x26: {  	[smem:$0x3F9F] =	sst s1;
	(tag) =	ssettag s2;
	_ =	strace s9  }
0x27: {  	s1 =	sld [smem:$0x3FAF]  }
0x28: {  	s2 =	sld [smem:$0x3FB0]  }
0x29: {  	s4 =	sld [smem:$0x3FB2]  }
0x2a: {  	p0 =	seq.s32 s5, $0x0;
	s5 =	sld [smem:$0x3FB3]  }
0x2b: {  	s6 =	sld [smem:$0x3FB4]  }
0x2c: {  	s7 =	sld [smem:$0x3FB5]  }
0x2d: {  	s3 =	simm.s32 $0x108;
	s8 =	sld [smem:$0x3FB6]  }
0x2e: {  	s3 =	simm.s32 @!p0 $0x1082;
	s9 =	sld [smem:$0x3FB7]  }
0x2f: {  	lr =	sadd.s32 s0, s3;
	s0 =	sld [smem:$0x3FAE]  }
0x30: {  	s3 =	sld [smem:$0x3FB1]  }
0x31: {  	[smem:$0x3FBA] =	sst s10  }
0x32: {  	s10 =	sld [smem:$0x3FB8];
	_ =	sdelay $0x3  }
0x33: {  	p0 =	seq.s32 s10, $0x1;
	s10 =	sld [smem:$0x3FBA];
	_ =	sdelay $0x3  }
0x34: {  	[smem:$0x3FBA] =	sst s10  }
0x35: {  	s10 =	sld [smem:$0x3FB9];
	_ =	sdelay $0x3  }
0x36: {  	p1 =	seq.s32 s10, $0x1;
	s10 =	sld [smem:$0x3FBA];
	_ =	sdelay $0x3  }
0x37: {  	[smem:$0x3FBA] =	sst s10  }
0x38: {  	s10 =	sld [smem:$0x3FBB]  }
0x39: {  	_ = 	snop;
	(pc) =	sbr.ind lr, $3  }
0x3a: {  	_ = 	snop  }
0x3b: {  	_ = 	snop  }
0x3c: {  	p2 =	seq.s32 s10, $0x1;
	s10 =	sld [smem:$0x3FBA]  }
0x3d: {  	_ =	shalt  }
0x3e: {  	_ =	shalt  }
0x3f: {  	_ =	shalt  }
0x40: {  	_ =	shalt  }
0x41: {  	_ =	shalt  }
0x42: {  	_ =	shalt  }
0x43: {  	_ =	shalt  }
0x44: {  	_ =	shalt  }
0x45: {  	_ =	shalt  }
0x46: {  	_ =	shalt  }
0x47: {  	_ =	shalt  }
0x48: {  	_ =	shalt  }
0x49: {  	_ =	shalt  }
0x4a: {  	_ =	shalt  }
0x4b: {  	_ =	shalt  }
0x4c: {  	_ =	shalt  }
0x4d: {  	_ =	shalt  }
0x4e: {  	_ =	shalt  }
0x4f: {  	_ =	shalt  }
0x50: {  	_ =	shalt  }
0x51: {  	_ =	shalt  }
0x52: {  	_ =	shalt  }
0x53: {  	_ =	shalt  }
0x54: {  	_ =	shalt  }
0x55: {  	_ =	shalt  }
0x56: {  	_ =	shalt  }
0x57: {  	_ =	shalt  }
0x58: {  	_ =	shalt  }
0x59: {  	_ =	shalt  }
0x5a: {  	_ =	shalt  }
0x5b: {  	_ =	shalt  }
0x5c: {  	_ =	shalt  }
0x5d: {  	_ =	shalt  }
0x5e: {  	_ =	shalt  }
0x5f: {  	_ =	shalt  }
0x60: {  	_ =	shalt  }
0x61: {  	_ =	shalt  }
0x62: {  	_ =	shalt  }
0x63: {  	_ =	shalt  }
0x64: {  	_ =	shalt  }
0x65: {  	_ =	shalt  }
0x66: {  	_ =	shalt  }
0x67: {  	_ =	shalt  }
0x68: {  	_ =	shalt  }
0x69: {  	_ =	shalt  }
0x6a: {  	_ =	shalt  }
0x6b: {  	_ =	shalt  }
0x6c: {  	_ =	shalt  }
0x6d: {  	_ =	shalt  }
0x6e: {  	_ =	shalt  }
0x6f: {  	_ =	shalt  }
0x70: {  	_ =	shalt  }
0x71: {  	_ =	shalt  }
0x72: {  	_ =	shalt  }
0x73: {  	_ =	shalt  }
0x74: {  	_ =	shalt  }
0x75: {  	_ =	shalt  }
0x76: {  	_ =	shalt  }
0x77: {  	_ =	shalt  }
0x78: {  	_ =	shalt  }
0x79: {  	_ =	shalt  }
0x7a: {  	_ =	shalt  }
0x7b: {  	_ =	shalt  }
0x7c: {  	_ =	shalt  }
0x7d: {  	_ =	shalt  }
0x7e: {  	_ =	shalt  }
0x7f: {  	_ =	shalt  }
0x80: {  	_ =	shalt  }
0x81: {  	_ =	shalt  }
0x82: {  	_ =	shalt  }
0x83: {  	_ =	shalt  }
0x84: {  	_ =	shalt  }
0x85: {  	_ =	shalt  }
0x86: {  	_ =	shalt  }
0x87: {  	_ =	shalt  }
.Lfunc_end0:
.L_simem_size_0:
called_computation_lowered:
.L_overlay_start_0:
0x88: {  	s2 =	sld [smem:$0x3FD9]  }
0x89: {  	s3 =	sld [smem:$0x3FFE];
	_ =	sdelay $0x1  }
0x8a: {  	s1 =	srdreg.scid  }
0x8b: {  	s0 =	sand.u32 $0x1, s1  }
0x8c: {  	s17 =	sshll.u32 s0, $0xA;
	s2 =	sadd.s32 s3, s2  }
0x8d: {  	s2 =	sadd.s32 s2, s17  }
0x8e: {  	[smem:$0x3FC6] =	sst s2  }
0x8f: {  	_ = 	snop  }
0x90: {  	s2 =	sld [smem:$0x3FC9]  }
0x91: {  	s18 =	sld [smem:$0x3FD0];
	(tm) =	ssettm $0x1  }
0x92: {  	s4 =	sld [smem:$0x3FFB];
	_ =	sdelay $0x3  }
0x93: {  	_ =	strace s4  }
0x94: {  	s4 =	sld [smem:$0x3FFC];
	_ =	sdelay $0x3  }
0x95: {  	_ =	strace s4  }
0x96: {  	s4 =	sld [smem:$0x3FFD];
	_ =	sdelay $0x3  }
0x97: {  	_ =	strace s4  }
0x98: {  	_ =	strace $0x8FFFFFFF  }
0x99: {  	s19 =	sld [smem:$0x3FDB];
	_ =	sdelay $0x1  }
0x9a: {  	s5 =	simm.s32 $_scs_section_size  }
0x9b: {  	s6 =	simm.s32 $_size__tile_overlayer_lowered;
	s7 =	simm.s32 $_tile_overlayer_lowered  }
0x9c: {  	s22 =	simm.s32 $0x1BFF;
	s21 =	sshll.u32 s7, $0x1;
	s4 =	sadd.s32 s5, s19  }
0x9d: {  	s8 =	simm.s32 $0x0;
	s20 =	sshll.u32 s6, $0x1;
	s6 =	sadd.s32 s21, s4  }
0x9e: {  	[timem:s8], [sflag:s22] =	dma.local [hbm:s6], s20  }
0x9f: {  	_ =	swait.ge [sflag:s22], s20  }
0xa0: {  	s5 =	ssub.s32 $0x0, s20;
	[sflag:s22] =	ssyncset.done $0x0  }
0xa1: {  	[sflag:s22] =	ssyncadd.s32 s5;
	_ =	sdelay $0x1  }
0xa2: {  	s23 =	simm.s32 $0x1B8B  }
0xa3: {  	_ =	swait.ge [sflag:s23], $0x1  }
0xa4: {  	[sflag:s23] =	ssyncset.done $0x0  }
0xa5: {  	s25 =	simm.s32 $0x1B8E;
	s24 =	sld [smem:$0x3FFE];
	[sflag:s23] =	ssyncadd.s32 $0xFFFFFFFF  }
0xa6: {  	s26 =	simm.s32 $execute0_lowered;
	[smem:$0x3FD2] =	sst s25  }
0xa7: {  	s6 =	sshll.u32 s26, $0x1;
	_ =	strace $0x80000046;
	[dreg:$0x1] =	wrdreg $0xFFFFFFFF  }
0xa8: {  	s28 =	simm.s32 $_size_execute0_lowered;
	s4 =	sadd.s32 s4, s6;
	[dreg:$0x0] =	wrdreg $0x0  }
0xa9: {  	s6 =	sshll.u32 s28, $0x1;
	[dreg:$0x2] =	wrdreg s4  }
0xaa: {  	[dreg:$0x3] =	wrdreg s6  }
0xab: {  	[dreg:$0x4] =	wrdreg $0xC0  }
0xac: {  	_ =	task [dreg:s8], $0x5FFFF  }
0xad: {  	[dreg:$0x1] =	wrdreg $0xFFFFFFFF  }
0xae: {  	[dreg:$0x0] =	wrdreg $0x60  }
0xaf: {  	[dreg:$0x2] =	wrdreg s2  }
0xb0: {  	[dreg:$0x3] =	wrdreg s18  }
0xb1: {  	[dreg:$0x4] =	wrdreg s24  }
0xb2: {  	[dreg:$0x5] =	wrdreg $0xA8000  }
0xb3: {  	[dreg:$0x6] =	wrdreg $0x9  }
0xb4: {  	_ =	task.clear_ibuf [dreg:s8], $0x7FFFF;
	_ =	strace $0x90000046  }
0xb5: {  	s29 =	simm.s32 $0x9;
	_ =	strace $0x80000048  }
0xb6: {  	_ =	swait.ge [sflag:s29], $0x1  }
0xb7: {  	[sflag:s29] =	ssyncadd.s32 $0xFFFFFFFF  }
0xb8: {  	_ =	strace $0x90000048  }
0xb9: {  	_ =	sfence  }
0xba: {  	s30 =	sld [smem:$0x0];
	_ =	sdelay $0x2  }
0xbb: {  	s31 =	sshll.u32 s1, $0xD;
	s1 =	sshrl.u32 s1, $0x2  }
0xbc: {  	s3 =	sand.u32 $0x4000, s31;
	s1 =	sadd.s32 s1, s30  }
0xbd: {  	s0 =	sor.u32 s3, s0;
	s1 =	sshll.u32 s1, $0x11  }
0xbe: {  	s0 =	sor.u32 s1, s0  }
0xbf: {  	s0 =	sadd.s32 $0x8F2B, s0  }
0xc0: {  	[sflag:s0] =	ssyncadd.remote.s32 $0x1  }
0xc1: {  	_ =	sfence.sel $0xFFFF  }
0xc2: {  	[dreg:$0x0] =	wrdreg $0xFFFFFFFF;
	(pc) =	sbr.abs _section_cstart, $3  }
0xc3: {  	[dreg:$0x1] =	wrdreg $0xFFFFFFFF  }
0xc4: {  	_ =	task.clear_ibuf [dreg:s8], $0x2FFFF;
	_ =	strace $0x9FFFFFFF  }
0xc5: {  	(tm) =	ssettm $0x7FFFFFFF  }
tec
execute0_lowered:
.L_overlay_start_1:
0x0: {  	(tag) =	ssettag $0x1  }
0x1: {  	s1 =	rddreg [dreg:$0x0]  }
0x2: {  	s0 =	rddreg [dreg:$0x1]  }
0x3: {  	s10 =	rddreg [dreg:$0x2]  }
0x4: {  	s2 =	rddreg [dreg:$0x3];
	s3 =	simm.s32 $0x0  }
0x5: {  	s4 =	srdreg.scid;
	s16 =	simm.s32 $0x7D;
	s17 =	simm.s32 $0x2800  }
0x6: {  	s18 =	simm.s32 $0x80;
	s19 =	simm.s32 $0x6800;
	s20 =	simm.s32 $0x3  }
0x7: {  	s28 =	simm.s32 $0x2700;
	s29 =	simm.s32 $0x2780;
	s30 =	simm.s32 $0x0  }
0x8: {  	[smem:$0x7FF] =	sst s3;
	s6 =	sand.u32 $0x1, s4;
	s4 =	stileid.u32  }
0x9: {  	s5 =	sadd.s32 $0xA000, s10;
	_ =	strace $0x80000047;
	s7 =	smul.u32 $0x27100, s6  }
0xa: {  	s8 =	sshll.u32 s6, $0x4;
	s9 =	smul.u32 $0x4F000, s4;
	s6 =	ssub.s32 $0x2, s6  }
0xb: {  	s24 =	sshll.u32 s4, $0x6;
	s26 =	smul.u32 $0x4E000, s4;
	p0 =	seq.s32 s4, $0xF  }
0xc: {  	s21 =	sor.u32 s4, s8;
	s22 =	sshrl.u32 s6, $0x1;
	s11 =	sadd.s32 s7, s10  }
0xd: {  	s9 =	sshrl.u32 s9, $0x2;
	s12 =	smul.u32 $0x2800, s21;
	s13 =	ssub.s32 s6, s22  }
0xe: {  	s23 =	smul.u32 $0x500, s21;
	s6 =	sor.u32 $0x1C03, s24;
	s31 =	sshrl.u32 s26, $0x2  }
0xf: {  	s24 =	smul.u32 $0x2700, s4;
	s21 =	simm.s32 $0x1;
	s22 =	simm.s32 $0x5  }
0x10: {  	s26 =	simm.s32 $0x2;
	s14 =	sadd.s32 s9, s2;
	s11 =	sadd.s32 $0xC800, s11  }
0x11: {  	s25 =	sshrl.u32 s12, $0x3;
	s7 =	sadd.s32 s0, s23;
	s8 =	sadd.s32 s10, s23  }
0x12: {  	s23 =	sadd.s32 $0x124800, s2;
	s12 =	smax.u32 s13, $0x1;
	s13 =	sshrl.u32 s14, $0x3  }
0x13: {  	s14 =	simm.s32 $0x1400;
	s24 =	sadd.s32 @!p0 s24, s11;
	s15 =	sadd.s32 $0x280, s25  }
0x14: {  	s23 =	sshrl.u32 @p0 s23, $0x3;
	s9 =	sadd.s32 s0, s15;
	s0 =	sadd.s32 s31, s2  }
0x15: {  	s10 =	sadd.s32 s10, s15;
	s15 =	simm.s32 $0x4;
	s25 =	sshrl.u32 @!p0 s0, $0x3  }
.LBB2_1:
0x16: {  	[spmem:s13], [sflag:s6] =	dma.local [hbm:s5], $0x2780  }
0x17: {  	[tilespmem:s3], [sflag:$0x4] =	stream.linear.gather [hbm4b:s7+s3], $0x1400, $0x38;
	[tilespmem:$0x1E400] =	vst v63  }
0x18: {  	_ = 	snop  }
0x19: {  	[tilespmem:s14], [sflag:$0x4] =	stream.linear.gather [hbm4b:s8+s3], $0x1400, $0x38;
	[tilespmem:$0x1E400] =	vst v63  }
0x1a: {  	_ =	swait.ge [sflag:s15], $0x1400  }
0x1b: {  	[sflag:s15] =	ssyncset.done $0x0  }
0x1c: {  	[sflag:s15] =	ssyncadd.s32 $0xFFFFEC00  }
0x1d: {  	_ =	swait.ge [sflag:s15], $0x1400  }
0x1e: {  	[sflag:s15] =	ssyncset.done $0x0  }
0x1f: {  	[sflag:s15] =	ssyncadd.s32 $0xFFFFEC00  }
0x20: {  	[tilespmem:s17], [sflag:$0x1] =	stream.indirect.gather [hbm4b:s1+s16], $0x80, s3, s16, $0xb8;
	[tilespmem:$0x1E400] =	vst v63  }
0x21: {  	_ = 	snop  }
0x22: {  	[tilespmem:s19], [sflag:$0x2] =	stream.indirect.gather [hbm4b:s1+s16], $0x80, s18, s16, $0xb8;
	[tilespmem:$0x1E400] =	vst v63  }
0x23: {  	_ =	swait.ge [sflag:s20], $0x2780  }
0x24: {  	[sflag:s20] =	ssyncset.done $0x0  }
0x25: {  	[sflag:s20] =	ssyncadd.s32 $0xFFFFD880  }
0x26: {  	[bflag:$0x0] =	sbarrier.arrive $0xFFFF  }
0x27: {  	_ =	swait.ge [sflag:s21], $0x3E80  }
0x28: {  	[sflag:s21] =	ssyncset.done $0x0  }
0x29: {  	s0 =	simm.s32 $0x1400;
	[sflag:s21] =	ssyncadd.s32 $0xFFFFC180  }
0x2a: {  	[spmem:s2] =	stream.indirect.scatter.add.f32 [tilespmem:s17], [sflag:$0x5], $0x80, s0, s16, $0xb8;
	[tilespmem:$0x1E400] =	vst v63  }
0x2b: {  	_ =	swait.ge [sflag:s22], $0x3E80  }
0x2c: {  	[sflag:s22] =	ssyncset.done $0x0  }
0x2d: {  	s4 =	simm.s32 $0x100;
	[sflag:s22] =	ssyncadd.s32 $0xFFFFC180  }
0x2e: {  	[tilespmem:s17], [sflag:$0x1] =	stream.indirect.gather [hbm4b:s1+s16], $0x80, s4, s16, $0xb8;
	[tilespmem:$0x1E400] =	vst v63  }
0x2f: {  	_ =	swait.ge [sflag:s26], $0x3E80  }
0x30: {  	[sflag:s26] =	ssyncset.done $0x0  }
0x31: {  	s4 =	simm.s32 $0x1480;
	[sflag:s26] =	ssyncadd.s32 $0xFFFFC180  }
0x32: {  	[spmem:s2] =	stream.indirect.scatter.add.f32 [tilespmem:s19], [sflag:$0x5], $0x80, s4, s16, $0xb8;
	[tilespmem:$0x1E400] =	vst v63  }
0x33: {  	_ =	swait.ge [sflag:s22], $0x3E80  }
0x34: {  	[sflag:s22] =	ssyncset.done $0x0  }
0x35: {  	s31 =	simm.s32 $0x400;
	s0 =	simm.s32 $0x180;
	[sflag:s22] =	ssyncadd.s32 $0xFFFFC180  }
.LBB2_2:
0x36: {  	[tilespmem:s19], [sflag:$0x2] =	stream.indirect.gather [hbm4b:s1+s16], $0x80, s0, s16, $0xb8;
	[tilespmem:$0x1E400] =	vst v63  }
0x37: {  	s0 =	smov.u32 s31  }
0x38: {  	p1 =	sne.s32 s31, $0x4800;
	s31 =	sadd.s32 $0x400, s31;
	_ =	swait.ge [sflag:s21], $0x3E80  }
0x39: {  	s0 =	sshra.s32 s0, $0x2;
	[sflag:s21] =	ssyncset.done $0x0  }
0x3a: {  	s4 =	sadd.s32 $0x1400, s0;
	[sflag:s21] =	ssyncadd.s32 $0xFFFFC180  }
0x3b: {  	[spmem:s2] =	stream.indirect.scatter.add.f32 [tilespmem:s17], [sflag:$0x5], $0x80, s4, s16, $0xb8;
	[tilespmem:$0x1E400] =	vst v63  }
0x3c: {  	_ =	swait.ge [sflag:s22], $0x3E80  }
0x3d: {  	[sflag:s22] =	ssyncset.done $0x0  }
0x3e: {  	s4 =	sadd.s32 $0x100, s0;
	[sflag:s22] =	ssyncadd.s32 $0xFFFFC180  }
0x3f: {  	[tilespmem:s17], [sflag:$0x1] =	stream.indirect.gather [hbm4b:s1+s16], $0x80, s4, s16, $0xb8;
	[tilespmem:$0x1E400] =	vst v63  }
0x40: {  	_ =	swait.ge [sflag:s26], $0x3E80  }
0x41: {  	[sflag:s26] =	ssyncset.done $0x0  }
.Ltmp0:
0x42: {  	s4 =	sadd.s32 $0x1480, s0;
	[sflag:s26] =	ssyncadd.s32 $0xFFFFC180;
	(pc) =	sbr.rel @p1 .LBB2_2-.Ltmp0, $4  }
0x43: {  	[spmem:s2] =	stream.indirect.scatter.add.f32 [tilespmem:s19], [sflag:$0x5], $0x80, s4, s16, $0xb8;
	[tilespmem:$0x1E400] =	vst v63  }
0x44: {  	_ =	swait.ge [sflag:s22], $0x3E80  }
0x45: {  	[sflag:s22] =	ssyncset.done $0x0  }
0x46: {  	s0 =	sadd.s32 $0x180, s0;
	[sflag:s22] =	ssyncadd.s32 $0xFFFFC180  }
0x47: {  	[tilespmem:s19], [sflag:$0x2] =	stream.indirect.gather [hbm4b:s1+s16], $0x80, s0, s16, $0xb8;
	[tilespmem:$0x1E400] =	vst v63  }
0x48: {  	_ =	swait.ge [sflag:s21], $0x3E80  }
0x49: {  	[sflag:s21] =	ssyncset.done $0x0  }
0x4a: {  	[sflag:s21] =	ssyncadd.s32 $0xFFFFC180  }
0x4b: {  	[spmem:s2] =	stream.indirect.scatter.add.f32 [tilespmem:s17], [sflag:$0x5], $0x80, s28, s16, $0xb8;
	[tilespmem:$0x1E400] =	vst v63  }
0x4c: {  	_ =	swait.ge [sflag:s22], $0x3E80  }
0x4d: {  	[sflag:s22] =	ssyncset.done $0x0  }
0x4e: {  	[sflag:s22] =	ssyncadd.s32 $0xFFFFC180  }
0x4f: {  	_ =	swait.ge [sflag:s26], $0x3E80  }
0x50: {  	[sflag:s26] =	ssyncset.done $0x0  }
0x51: {  	[sflag:s26] =	ssyncadd.s32 $0xFFFFC180  }
0x52: {  	[spmem:s2] =	stream.indirect.scatter.add.f32 [tilespmem:s19], [sflag:$0x5], $0x80, s29, s16, $0xb8;
	[tilespmem:$0x1E400] =	vst v63  }
0x53: {  	_ =	swait.ge [sflag:s22], $0x3E80  }
0x54: {  	[sflag:s22] =	ssyncset.done $0x0  }
0x55: {  	s4 =	simm.s32 $0x0;
	[sflag:s22] =	ssyncadd.s32 $0xFFFFC180  }
0x56: {  	[tilespmem:s4], [sflag:$0x4] =	stream.linear.gather [hbm4b:s9+s4], $0x1400, $0x38;
	[tilespmem:$0x1E400] =	vst v63  }
0x57: {  	_ = 	snop  }
0x58: {  	[tilespmem:s14], [sflag:$0x4] =	stream.linear.gather [hbm4b:s10+s4], $0x1400, $0x38;
	[tilespmem:$0x1E400] =	vst v63  }
0x59: {  	_ =	swait.ge [sflag:s15], $0x1400  }
0x5a: {  	[sflag:s15] =	ssyncset.done $0x0  }
0x5b: {  	[sflag:s15] =	ssyncadd.s32 $0xFFFFEC00  }
0x5c: {  	_ =	swait.ge [sflag:s15], $0x1400  }
0x5d: {  	[sflag:s15] =	ssyncset.done $0x0  }
0x5e: {  	[sflag:s15] =	ssyncadd.s32 $0xFFFFEC00  }
0x5f: {  	[tilespmem:s17], [sflag:$0x1] =	stream.indirect.gather [hbm4b:s1+s16], $0x80, s4, s16, $0xb8;
	[tilespmem:$0x1E400] =	vst v63  }
0x60: {  	_ = 	snop  }
0x61: {  	[tilespmem:s19], [sflag:$0x2] =	stream.indirect.gather [hbm4b:s1+s16], $0x80, s18, s16, $0xb8;
	[tilespmem:$0x1E400] =	vst v63  }
0x62: {  	_ =	swait.ge [sflag:s21], $0x3E80  }
0x63: {  	[sflag:s21] =	ssyncset.done $0x0  }
0x64: {  	s4 =	simm.s32 $0x1400;
	[sflag:s21] =	ssyncadd.s32 $0xFFFFC180  }
0x65: {  	[spmem:s2] =	stream.indirect.scatter.add.f32 [tilespmem:s17], [sflag:$0x5], $0x80, s4, s16, $0xb8;
	[tilespmem:$0x1E400] =	vst v63  }
0x66: {  	_ =	swait.ge [sflag:s22], $0x3E80  }
0x67: {  	[sflag:s22] =	ssyncset.done $0x0  }
0x68: {  	s4 =	simm.s32 $0x100;
	[sflag:s22] =	ssyncadd.s32 $0xFFFFC180  }
0x69: {  	[tilespmem:s17], [sflag:$0x1] =	stream.indirect.gather [hbm4b:s1+s16], $0x80, s4, s16, $0xb8;
	[tilespmem:$0x1E400] =	vst v63  }
0x6a: {  	_ =	swait.ge [sflag:s26], $0x3E80  }
0x6b: {  	[sflag:s26] =	ssyncset.done $0x0  }
0x6c: {  	s4 =	simm.s32 $0x1480;
	[sflag:s26] =	ssyncadd.s32 $0xFFFFC180  }
0x6d: {  	[spmem:s2] =	stream.indirect.scatter.add.f32 [tilespmem:s19], [sflag:$0x5], $0x80, s4, s16, $0xb8;
	[tilespmem:$0x1E400] =	vst v63  }
0x6e: {  	_ =	swait.ge [sflag:s22], $0x3E80  }
0x6f: {  	[sflag:s22] =	ssyncset.done $0x0  }
0x70: {  	s31 =	simm.s32 $0x400;
	s0 =	simm.s32 $0x180;
	[sflag:s22] =	ssyncadd.s32 $0xFFFFC180  }
.LBB2_4:
0x71: {  	[tilespmem:s19], [sflag:$0x2] =	stream.indirect.gather [hbm4b:s1+s16], $0x80, s0, s16, $0xb8;
	[tilespmem:$0x1E400] =	vst v63  }
0x72: {  	s0 =	smov.u32 s31  }
0x73: {  	p1 =	sne.s32 s31, $0x4800;
	s31 =	sadd.s32 $0x400, s31;
	_ =	swait.ge [sflag:s21], $0x3E80  }
0x74: {  	s0 =	sshra.s32 s0, $0x2;
	[sflag:s21] =	ssyncset.done $0x0  }
0x75: {  	s4 =	sadd.s32 $0x1400, s0;
	[sflag:s21] =	ssyncadd.s32 $0xFFFFC180  }
0x76: {  	[spmem:s2] =	stream.indirect.scatter.add.f32 [tilespmem:s17], [sflag:$0x5], $0x80, s4, s16, $0xb8;
	[tilespmem:$0x1E400] =	vst v63  }
0x77: {  	_ =	swait.ge [sflag:s22], $0x3E80  }
0x78: {  	[sflag:s22] =	ssyncset.done $0x0  }
0x79: {  	s4 =	sadd.s32 $0x100, s0;
	[sflag:s22] =	ssyncadd.s32 $0xFFFFC180  }
0x7a: {  	[tilespmem:s17], [sflag:$0x1] =	stream.indirect.gather [hbm4b:s1+s16], $0x80, s4, s16, $0xb8;
	[tilespmem:$0x1E400] =	vst v63  }
0x7b: {  	_ =	swait.ge [sflag:s26], $0x3E80  }
0x7c: {  	[sflag:s26] =	ssyncset.done $0x0  }
.Ltmp1:
0x7d: {  	s4 =	sadd.s32 $0x1480, s0;
	[sflag:s26] =	ssyncadd.s32 $0xFFFFC180;
	(pc) =	sbr.rel @p1 .LBB2_4-.Ltmp1, $4  }
0x7e: {  	[spmem:s2] =	stream.indirect.scatter.add.f32 [tilespmem:s19], [sflag:$0x5], $0x80, s4, s16, $0xb8;
	[tilespmem:$0x1E400] =	vst v63  }
0x7f: {  	_ =	swait.ge [sflag:s22], $0x3E80  }
0x80: {  	[sflag:s22] =	ssyncset.done $0x0  }
0x81: {  	s0 =	sadd.s32 $0x180, s0;
	[sflag:s22] =	ssyncadd.s32 $0xFFFFC180  }
0x82: {  	[tilespmem:s19], [sflag:$0x2] =	stream.indirect.gather [hbm4b:s1+s16], $0x80, s0, s16, $0xb8;
	[tilespmem:$0x1E400] =	vst v63  }
0x83: {  	_ =	swait.ge [sflag:s21], $0x3E80  }
0x84: {  	[sflag:s21] =	ssyncset.done $0x0  }
0x85: {  	[sflag:s21] =	ssyncadd.s32 $0xFFFFC180  }
0x86: {  	[spmem:s2] =	stream.indirect.scatter.add.f32 [tilespmem:s17], [sflag:$0x5], $0x80, s28, s16, $0xb8;
	[tilespmem:$0x1E400] =	vst v63  }
0x87: {  	_ =	swait.ge [sflag:s22], $0x3E80  }
0x88: {  	[sflag:s22] =	ssyncset.done $0x0  }
0x89: {  	[sflag:s22] =	ssyncadd.s32 $0xFFFFC180  }
0x8a: {  	_ =	swait.ge [sflag:s26], $0x3E80  }
0x8b: {  	[sflag:s26] =	ssyncset.done $0x0  }
0x8c: {  	[sflag:s26] =	ssyncadd.s32 $0xFFFFC180  }
0x8d: {  	[spmem:s2] =	stream.indirect.scatter.add.f32 [tilespmem:s19], [sflag:$0x5], $0x80, s29, s16, $0xb8;
	[tilespmem:$0x1E400] =	vst v63  }
0x8e: {  	_ =	swait.ge [sflag:s22], $0x3E80  }
0x8f: {  	[sflag:s22] =	ssyncset.done $0x0  }
0x90: {  	[sflag:s22] =	ssyncadd.s32 $0xFFFFC180  }
0x91: {  	s0 =	sadd.s32 @p0 $0x24900, s11;
	s4 =	simm.s32 @p0 $0x1FC5;
	[bflag:$0x0] =	sbarrier.arrive $0xFFFF  }
0x92: {  	[hbm:s0], [sflag:s4] =	dma.local @p0 [spmem:s23], $0x2800  }
0x93: {  	s0 =	simm.s32 @p0 $0x5  }
0x94: {  	s4 =	stileid.u32;
	_ =	swait.ge @p0 [sflag:s0], $0x2800  }
0x95: {  	s30 =	sadd.s32 $0x1, s30;
	s4 =	sshll.u32 @!p0 s4, $0x6;
	[sflag:s0] =	ssyncset.done @p0 $0x0  }
0x96: {  	p1 =	sne.s32 s30, s12;
	[sflag:s0] =	ssyncadd.s32 @p0 $0xFFFFD800;
	s0 =	sor.u32 @!p0 $0x1C05, s4  }
0x97: {  	[hbm:s24], [sflag:s0] =	dma.local @!p0 [spmem:s25], $0x2700  }
.Ltmp2:
0x98: {  	_ = 	snop;
	(pc) =	sbr.rel @p1 .LBB2_1-.Ltmp2, $4  }
0x99: {  	s0 =	simm.s32 @!p0 $0x5  }
0x9a: {  	_ =	swait.ge @!p0 [sflag:s0], $0x2700  }
0x9b: {  	[sflag:s0] =	ssyncset.done @!p0 $0x0  }
0x9c: {  	[sflag:s0] =	ssyncadd.s32 @!p0 $0xFFFFD900  }
0x9d: {  	_ =	sfence.sel $0x180000  }
0x9e: {  	[bflag:$0x0] =	sbarrier.arrive $0xFFFF  }
0x9f: {  	_ =	strace $0x90000047  }
0xa0: {  	s0 =	stileid.u32;
	[bflag:$0x2] =	sbarrier.arrive $0xFFFF  }
0xa1: {  	p0 =	sne.s32 s0, $0x0;
	s0 =	rddreg [dreg:$0x4]  }
0xa2: {  	s0 =	sadd.s32 @!p0 $0x100000, s0  }
0xa3: {  	[sflag:s0] =	ssyncadd.tile.s32 @!p0 $0x1;
	_ =	shalt  }
.Lfunc_end2:
_tile_overlayer_lowered:
.L_overlay_start_2:
0xa4: {  	(tag) =	ssettag $0x2  }
0xa5: {  	s0 =	rddreg [dreg:$0x0];
	s2 =	stileid.u32  }
0xa6: {  	s1 =	rddreg [dreg:$0x1];
	p0 =	sne.s32 s2, $0x0  }
0xa7: {  	s3 =	rddreg [dreg:$0x2];
	[bflag:$0x3] =	sbarrier.arrive $0xFFFF;
	s2 =	simm.s32 @!p0 $0x1C05  }
0xa8: {  	[timem:s3], [sflag:s2] =	dma.local @!p0 [hbm:s0], s1  }
0xa9: {  	s0 =	simm.s32 @!p0 $0x5  }
0xaa: {  	_ =	swait.ge @!p0 [sflag:s0], s1  }
0xab: {  	s1 =	ssub.s32 @!p0 $0x0, s1;
	[sflag:s0] =	ssyncset.done @!p0 $0x0  }
0xac: {  	[sflag:s0] =	ssyncadd.s32 @!p0 s1  }
0xad: {  	[bflag:$0x3] =	sbarrier.arrive $0xFFFF  }
0xae: {  	_ =	shalt  }

</sc_bundles>
